<compile_context>
chip_gen: v7x
topology: tpu7x:2x2x1
jax: 0.10.2.dev20260603
libtpu: 0.0.44.dev20260713+nightly
codegen_flags: <defaults>
</compile_context>

<pallas_src>
import jax
import jax.numpy as jnp
from jax.experimental import pallas as pl
from jax.experimental.pallas import tpu as pltpu
from jax.experimental.pallas import tpu_sc as plsc

N = 10000
E = 320000
IN = 128
D = 64
WD = 128
NC = 2
NS = 16
NW = NC * NS
K = 104
NB = 97
EPW = K * NB
EP = NW * EPW
NG = 8
NH = N + NG
CS = 624
CL = N - CS * (NS - 1)
BN = 400


def _fill_ones(ref, rows, width):
    @pl.loop(0, rows)
    def _(r):
        for c in range(width // 16):
            ref[r, pl.ds(c * 16, 16)] = jnp.ones((16,), jnp.float32)



def _deg_body(src_hbm, z_hbm, out_hbm, idx_v, ones_v, acc_sh, sem1, sem2):
    c = jax.lax.axis_index("c")
    s = jax.lax.axis_index("s")
    w = c * NS + s
    a1 = pltpu.async_copy(src_hbm.at[w], idx_v, sem1)
    _fill_ones(ones_v, K, WD)

    @pl.when(s < NS - 1)
    def _():
        pltpu.async_copy(z_hbm.at[pl.ds(0, CS)],
                         acc_sh.at[pl.ds(s * CS, CS)], sem2).wait()

    @pl.when(s == NS - 1)
    def _():
        pltpu.async_copy(z_hbm.at[pl.ds(0, CL)],
                         acc_sh.at[pl.ds((NS - 1) * CS, CL)], sem2).wait()

    a1.wait()
    plsc.subcore_barrier()

    @pl.loop(0, NB - 1, step=2)
    def _(j):
        d1 = pltpu.async_copy(ones_v, acc_sh.at[idx_v.at[j]], sem1, add=True)
        d2 = pltpu.async_copy(ones_v, acc_sh.at[idx_v.at[j + 1]], sem2,
                              add=True)
        d1.wait()
        d2.wait()

    pltpu.sync_copy(ones_v, acc_sh.at[idx_v.at[NB - 1]], add=True)
    plsc.subcore_barrier()

    @pl.when(s < NS - 1)
    def _():
        pltpu.sync_copy(acc_sh.at[pl.ds(s * CS, CS)],
                        out_hbm.at[c, pl.ds(s * CS, CS)])

    @pl.when(s == NS - 1)
    def _():
        pltpu.sync_copy(acc_sh.at[pl.ds((NS - 1) * CS, CL)],
                        out_hbm.at[c, pl.ds((NS - 1) * CS, CL)])


_DEG = pl.kernel(
    _deg_body,
    out_type=jax.ShapeDtypeStruct((NC, N, WD), jnp.float32),
    mesh=plsc.VectorSubcoreMesh(core_axis_name="c", subcore_axis_name="s",
                                num_cores=NC, num_subcores=NS),
    scratch_types=[
        pltpu.VMEM((NB, K), jnp.int32),
        pltpu.VMEM((K, WD), jnp.float32),
        pltpu.VMEM_SHARED((NH, WD), jnp.float32),
        pltpu.SemaphoreType.DMA,
        pltpu.SemaphoreType.DMA,
    ],
)



def _seg_body(h_hbm, src_hbm, dst_hbm, z_hbm, out_hbm,
              idxs_v, idxd_v, rows_a, rows_b, acc_sh,
              gsem_a, gsem_b, ssem_a, ssem_b):
    c = jax.lax.axis_index("c")
    s = jax.lax.axis_index("s")
    w = c * NS + s
    a1 = pltpu.async_copy(src_hbm.at[w], idxs_v, gsem_a)
    a2 = pltpu.async_copy(dst_hbm.at[w], idxd_v, gsem_b)

    @pl.when(s < NS - 1)
    def _():
        pltpu.async_copy(z_hbm.at[pl.ds(0, CS)],
                         acc_sh.at[pl.ds(s * CS, CS)], ssem_a).wait()

    @pl.when(s == NS - 1)
    def _():
        pltpu.async_copy(z_hbm.at[pl.ds(0, CL)],
                         acc_sh.at[pl.ds((NS - 1) * CS, CL)], ssem_a).wait()

    a1.wait()
    a2.wait()
    plsc.subcore_barrier()

    pltpu.sync_copy(h_hbm.at[idxs_v.at[pl.ds(0, K)]], rows_a)

    @pl.loop(0, NB - 1, step=2)
    def _(p):
        dg = pltpu.async_copy(h_hbm.at[idxs_v.at[pl.ds((p + 1) * K, K)]],
                              rows_b, gsem_b)
        ds = pltpu.async_copy(rows_a, acc_sh.at[idxd_v.at[p]], ssem_a,
                              add=True)
        dg.wait()
        ds.wait()
        dg2 = pltpu.async_copy(h_hbm.at[idxs_v.at[pl.ds((p + 2) * K, K)]],
                               rows_a, gsem_a)
        ds2 = pltpu.async_copy(rows_b, acc_sh.at[idxd_v.at[p + 1]], ssem_b,
                               add=True)
        dg2.wait()
        ds2.wait()

    pltpu.sync_copy(rows_a, acc_sh.at[idxd_v.at[NB - 1]], add=True)
    plsc.subcore_barrier()

    @pl.when(s < NS - 1)
    def _():
        pltpu.sync_copy(acc_sh.at[pl.ds(s * CS, CS)],
                        out_hbm.at[c, pl.ds(s * CS, CS)])

    @pl.when(s == NS - 1)
    def _():
        pltpu.sync_copy(acc_sh.at[pl.ds((NS - 1) * CS, CL)],
                        out_hbm.at[c, pl.ds((NS - 1) * CS, CL)])


_SEG = pl.kernel(
    _seg_body,
    out_type=jax.ShapeDtypeStruct((NC, N, WD), jnp.float32),
    mesh=plsc.VectorSubcoreMesh(core_axis_name="c", subcore_axis_name="s",
                                num_cores=NC, num_subcores=NS),
    scratch_types=[
        pltpu.VMEM((EPW,), jnp.int32),
        pltpu.VMEM((NB, K), jnp.int32),
        pltpu.VMEM((K, WD), jnp.float32),
        pltpu.VMEM((K, WD), jnp.float32),
        pltpu.VMEM_SHARED((NH, WD), jnp.float32),
        pltpu.SemaphoreType.DMA,
        pltpu.SemaphoreType.DMA,
        pltpu.SemaphoreType.DMA,
        pltpu.SemaphoreType.DMA,
    ],
)



def _norm(dcol):
    return jnp.where(dcol > 0, jax.lax.rsqrt(jnp.maximum(dcol, 1.0)), 0.0)


def _col64(shape):
    lane = jax.lax.broadcasted_iota(jnp.int32, shape, 1)
    return jnp.where(lane == D, 1.0, 0.0).astype(jnp.float32)


def _b_body(dega_ref, x_ref, w1_ref, o_ref):
    ns = _norm(dega_ref[0][:, 0:1] + dega_ref[1][:, 0:1])
    o_ref[...] = jax.lax.dot_general(
        x_ref[...] * ns, w1_ref[...], (((1,), (0,)), ((), ())),
        preferred_element_type=jnp.float32) + _col64((BN, WD))


def _d_body(aggp_ref, dega_ref, b1_ref, w2_ref, o_ref):
    ns = _norm(dega_ref[0][:, 0:1] + dega_ref[1][:, 0:1])
    nd = _norm(aggp_ref[0][:, D:D + 1] + aggp_ref[1][:, D:D + 1])
    agg = aggp_ref[0][:, :D] + aggp_ref[1][:, :D]
    x1 = jnp.maximum(agg * nd + b1_ref[...], 0.0)
    o_ref[...] = jax.lax.dot_general(
        x1 * ns, w2_ref[...], (((1,), (0,)), ((), ())),
        preferred_element_type=jnp.float32) + _col64((BN, WD))


def _f_body(aggp_ref, b2_ref, wo1_ref, bo1_ref, wo2_ref, bo2_ref, o_ref):
    nd = _norm(aggp_ref[0][:, D:D + 1] + aggp_ref[1][:, D:D + 1])
    x2 = (aggp_ref[0][:, :D] + aggp_ref[1][:, :D]) * nd + b2_ref[...]
    t = jnp.maximum(jax.lax.dot_general(
        x2, wo1_ref[...], (((1,), (0,)), ((), ())),
        preferred_element_type=jnp.float32) + bo1_ref[...], 0.0)
    o_ref[...] = jax.lax.dot_general(
        t, wo2_ref[...], (((1,), (0,)), ((), ())),
        preferred_element_type=jnp.float32) + bo2_ref[...]


_GRID = (N // BN,)
_deg_spec = pl.BlockSpec((NC, BN, WD), lambda i: (0, i, 0))
_agg_spec = pl.BlockSpec((NC, BN, WD), lambda i: (0, i, 0))


def _stage_b(dega, x, w1):
    return pl.pallas_call(
        _b_body,
        grid=_GRID,
        in_specs=[_deg_spec,
                  pl.BlockSpec((BN, IN), lambda i: (i, 0)),
                  pl.BlockSpec((IN, WD), lambda i: (0, 0))],
        out_specs=pl.BlockSpec((BN, WD), lambda i: (i, 0)),
        out_shape=jax.ShapeDtypeStruct((NH, WD), jnp.float32),
    )(dega, x, w1)


def _stage_d(aggp, dega, b1, w2):
    return pl.pallas_call(
        _d_body,
        grid=_GRID,
        in_specs=[_agg_spec, _deg_spec,
                  pl.BlockSpec((1, D), lambda i: (0, 0)),
                  pl.BlockSpec((D, WD), lambda i: (0, 0))],
        out_specs=pl.BlockSpec((BN, WD), lambda i: (i, 0)),
        out_shape=jax.ShapeDtypeStruct((NH, WD), jnp.float32),
    )(aggp, dega, b1, w2)


def _stage_f(aggp, b2, wo1, bo1, wo2, bo2):
    return pl.pallas_call(
        _f_body,
        grid=_GRID,
        in_specs=[_agg_spec,
                  pl.BlockSpec((1, D), lambda i: (0, 0)),
                  pl.BlockSpec((D, D), lambda i: (0, 0)),
                  pl.BlockSpec((1, D), lambda i: (0, 0)),
                  pl.BlockSpec((D, 1), lambda i: (0, 0)),
                  pl.BlockSpec((1, 1), lambda i: (0, 0))],
        out_specs=pl.BlockSpec((BN, 1), lambda i: (i, 0)),
        out_shape=jax.ShapeDtypeStruct((N, 1), jnp.float32),
    )(aggp, b2, wo1, bo1, wo2, bo2)


def kernel(features, edge_index, W1, b1, W2, b2, Wo1, bo1, Wo2, bo2):
    x = features.reshape(N, IN)
    gidx = N + (jnp.arange(EP - E, dtype=jnp.int32) % NG)
    src = jnp.concatenate([edge_index[0], gidx])
    dst = jnp.concatenate([edge_index[1], gidx])
    srcb = src.reshape(NW, NB, K)
    srcf = src.reshape(NW, EPW)
    dstb = dst.reshape(NW, NB, K)
    z = jnp.zeros((CL, WD), jnp.float32)
    w1p = jnp.pad(W1, ((0, 0), (0, WD - D)))
    w2p = jnp.pad(W2, ((0, 0), (0, WD - D)))
    dega = _DEG(srcb, z)
    h1 = _stage_b(dega, x, w1p)
    agg1 = _SEG(h1, srcf, dstb, z)
    h2 = _stage_d(agg1, dega, b1.reshape(1, D), w2p)
    agg2 = _SEG(h2, srcf, dstb, z)
    return _stage_f(agg2, b2.reshape(1, D), Wo1, bo1.reshape(1, D),
                    Wo2.reshape(D, 1), bo2.reshape(1, 1))

# --- scband reference (transcript-rebuilt; emitter-appended) ---
"""Pipeline reference for scband-net-gcn-40114994545113 (READ-ONLY COPY).

The authoritative reference and input builder live on the scoring server;
editing this copy changes nothing except your own understanding.
"""

import jax, jax.numpy as jnp
import numpy as np

N = 10000
E = 320000
IN_DIM = 32
N_SEQ = 4
H1 = 64
H2 = 64
END = 64
OUT = 1


def setup_inputs(seed: int = 0) -> dict:
    key = jax.random.key(seed)
    ks = jax.random.split(key, 12)
    features = jax.random.normal(ks[0], (N, IN_DIM, N_SEQ), dtype=jnp.float32)
    edge_index = jax.random.randint(ks[1], (2, E), 0, N, dtype=jnp.int32)
    d0 = IN_DIM * N_SEQ
    W1 = jax.random.normal(ks[2], (d0, H1), dtype=jnp.float32) / np.sqrt(d0)
    b1 = jnp.zeros((H1,), dtype=jnp.float32)
    W2 = jax.random.normal(ks[3], (H1, H2), dtype=jnp.float32) / np.sqrt(H1)
    b2 = jnp.zeros((H2,), dtype=jnp.float32)
    Wo1 = jax.random.normal(ks[4], (H2, END), dtype=jnp.float32) / np.sqrt(H2)
    bo1 = jnp.zeros((END,), dtype=jnp.float32)
    Wo2 = jax.random.normal(ks[5], (END, OUT), dtype=jnp.float32) / np.sqrt(END)
    bo2 = jnp.zeros((OUT,), dtype=jnp.float32)
    return {"features": features, "edge_index": edge_index, "W1": W1, "b1": b1, "W2": W2, "b2": b2, "Wo1": Wo1, "bo1": bo1, "Wo2": Wo2, "bo2": bo2}


def _gcn_layer(x, edge_index, W, b):
    # DGL GraphConv with norm='both': D_out^{-1/2} A^T D_in^{-1/2} style symmetric norm
    src = edge_index[0]
    dst = edge_index[1]
    ones = jnp.ones((src.shape[0],), dtype=x.dtype)
    deg_out = jax.ops.segment_sum(ones, src, num_segments=N)
    deg_in = jax.ops.segment_sum(ones, dst, num_segments=N)
    norm_src = jnp.where(deg_out > 0, jax.lax.rsqrt(jnp.maximum(deg_out, 1.0)), 0.0)
    norm_dst = jnp.where(deg_in > 0, jax.lax.rsqrt(jnp.maximum(deg_in, 1.0)), 0.0)
    h = (x * norm_src[:, None]) @ W
    agg = jax.ops.segment_sum(h[src], dst, num_segments=N)
    return agg * norm_dst[:, None] + b


def reference(features, edge_index, W1, b1, W2, b2, Wo1, bo1, Wo2, bo2):
    x = features.reshape(features.shape[0], features.shape[1] * N_SEQ)
    x = jax.nn.relu(_gcn_layer(x, edge_index, W1, b1))
    x = _gcn_layer(x, edge_index, W2, b2)
    # OutputLayer: linear -> relu -> linear (regression head, no softmax)
    x = jax.nn.relu(x @ Wo1 + bo1)
    x = x @ Wo2 + bo2
    return x

if __name__ == "__main__":
    import jax
    _d = setup_inputs()
    print(jax.jit(kernel)(*tuple(_d.values())))

</pallas_src>

<mosaic_0001>
#map = affine_map<(d0, d1) -> (0, 0, 0)>
#map1 = affine_map<(d0, d1) -> (0, 0)>
module attributes {stable_mosaic.version = 14 : i64} {
  func.func @_deg_body(%arg0: i32, %arg1: i32, %arg2: memref<32x97x104xi32, #tpu.memory_space<hbm>>, %arg3: memref<640x128xf32, #tpu.memory_space<hbm>>, %arg4: memref<2x10000x128xf32, #tpu.memory_space<hbm>>, %arg5: memref<97x104xi32, #tpu.memory_space<vmem>>, %arg6: memref<104x128xf32, #tpu.memory_space<vmem>>, %arg7: memref<10008x128xf32, #tpu.memory_space<vmem_shared>>, %arg8: memref<!tpu.dma_semaphore, #tpu.memory_space<semaphore_mem>>, %arg9: memref<!tpu.dma_semaphore, #tpu.memory_space<semaphore_mem>>) attributes {dimension_semantics = [#tpu.dimension_semantics<core_parallel>, #tpu.dimension_semantics<subcore_parallel>], iteration_bounds = array<i64: 2, 16>, scalar_prefetch = 0 : i64, scratch_operands = 5 : i64, tpu.core_type = #tpu.core_type<sc_vector_subcore>, window_params = [{transform_indices = #map}, {transform_indices = #map1}, {transform_indices = #map}]} {
    %mul3A = arith.constant 16 : i32
    %mul3A_0 = arith.muli %arg0, %mul3A : i32
    %add3A = arith.addi %mul3A_0, %arg1 : i32
    %dma_start3A = arith.constant 0 : i32
    %dma_start3A_1 = arith.constant 0 : i32
    %dma_start3A_2 = tpu.memref_slice %arg2[%add3A, %dma_start3A, %dma_start3A_1] : memref<32x97x104xi32, #tpu.memory_space<hbm>> -> memref<1x97x104xi32, #tpu.memory_space<hbm>>
    %dma_start3A_3 = tpu.memref_squeeze %dma_start3A_2 : memref<1x97x104xi32, #tpu.memory_space<hbm>> -> memref<97x104xi32, #tpu.memory_space<hbm>>
    %dma_start3A_4 = arith.constant 0 : i32
    %dma_start3A_5 = arith.constant 0 : i32
    %dma_start3A_6 = tpu.memref_slice %arg2[%add3A, %dma_start3A_4, %dma_start3A_5] : memref<32x97x104xi32, #tpu.memory_space<hbm>> -> memref<1x97x104xi32, #tpu.memory_space<hbm>>
    %dma_start3A_7 = tpu.memref_squeeze %dma_start3A_6 : memref<1x97x104xi32, #tpu.memory_space<hbm>> -> memref<97x104xi32, #tpu.memory_space<hbm>>
    tpu.enqueue_dma source(%dma_start3A_7 : memref<97x104xi32, #tpu.memory_space<hbm>>) target(%arg5 : memref<97x104xi32, #tpu.memory_space<vmem>>) target_semaphore(%arg8 : memref<!tpu.dma_semaphore, #tpu.memory_space<semaphore_mem>>)
    %scan3A = arith.constant 0 : i32
    %scan3A_8 = arith.constant 104 : i32
    %scan3A_9 = arith.addi %scan3A, %scan3A_8 : i32
    %scan3A_10 = arith.constant 1 : i32
    scf.for %scan3A_41 = %scan3A to %scan3A_9 step %scan3A_10  : i32 {
      %mul3A_42 = arith.constant 1 : i32
      %mul3A_43 = arith.muli %scan3A_41, %mul3A_42 : i32
      %add3A_44 = arith.constant 0 : i32
      %add3A_45 = arith.addi %add3A_44, %mul3A_43 : i32
      %broadcast_in_dim3A = arith.constant 1.000000e+00 : f32
      %broadcast_in_dim3A_46 = vector.broadcast %broadcast_in_dim3A : f32 to vector<16xf32>
      %swap3A = arith.index_cast %add3A_45 : i32 to index
      %swap3A_47 = arith.constant 0 : index
      %swap3A_48 = tpu.vector_load %arg6[%swap3A, %swap3A_47] {strides = array<i32>} : memref<104x128xf32, #tpu.memory_space<vmem>>, vector<1x16xf32>,
      %swap3A_49 = vector.shape_cast %swap3A_48 : vector<1x16xf32> to vector<16xf32>
      %swap3A_50 = vector.shape_cast %broadcast_in_dim3A_46 : vector<16xf32> to vector<1x16xf32>
      tpu.vector_store %arg6[%swap3A, %swap3A_47], %swap3A_50 {strides = array<i32>} : memref<104x128xf32, #tpu.memory_space<vmem>>, vector<1x16xf32>,
      %broadcast_in_dim3A_51 = arith.constant 1.000000e+00 : f32
      %broadcast_in_dim3A_52 = vector.broadcast %broadcast_in_dim3A_51 : f32 to vector<16xf32>
      %swap3A_53 = arith.index_cast %add3A_45 : i32 to index
      %swap3A_54 = arith.constant 16 : index
      %swap3A_55 = tpu.vector_load %arg6[%swap3A_53, %swap3A_54] {strides = array<i32>} : memref<104x128xf32, #tpu.memory_space<vmem>>, vector<1x16xf32>,
      %swap3A_56 = vector.shape_cast %swap3A_55 : vector<1x16xf32> to vector<16xf32>
      %swap3A_57 = vector.shape_cast %broadcast_in_dim3A_52 : vector<16xf32> to vector<1x16xf32>
      tpu.vector_store %arg6[%swap3A_53, %swap3A_54], %swap3A_57 {strides = array<i32>} : memref<104x128xf32, #tpu.memory_space<vmem>>, vector<1x16xf32>,
      %broadcast_in_dim3A_58 = arith.constant 1.000000e+00 : f32
      %broadcast_in_dim3A_59 = vector.broadcast %broadcast_in_dim3A_58 : f32 to vector<16xf32>
      %swap3A_60 = arith.index_cast %add3A_45 : i32 to index
      %swap3A_61 = arith.constant 32 : index
      %swap3A_62 = tpu.vector_load %arg6[%swap3A_60, %swap3A_61] {strides = array<i32>} : memref<104x128xf32, #tpu.memory_space<vmem>>, vector<1x16xf32>,
      %swap3A_63 = vector.shape_cast %swap3A_62 : vector<1x16xf32> to vector<16xf32>
      %swap3A_64 = vector.shape_cast %broadcast_in_dim3A_59 : vector<16xf32> to vector<1x16xf32>
      tpu.vector_store %arg6[%swap3A_60, %swap3A_61], %swap3A_64 {strides = array<i32>} : memref<104x128xf32, #tpu.memory_space<vmem>>, vector<1x16xf32>,
      %broadcast_in_dim3A_65 = arith.constant 1.000000e+00 : f32
      %broadcast_in_dim3A_66 = vector.broadcast %broadcast_in_dim3A_65 : f32 to vector<16xf32>
      %swap3A_67 = arith.index_cast %add3A_45 : i32 to index
      %swap3A_68 = arith.constant 48 : index
      %swap3A_69 = tpu.vector_load %arg6[%swap3A_67, %swap3A_68] {strides = array<i32>} : memref<104x128xf32, #tpu.memory_space<vmem>>, vector<1x16xf32>,
      %swap3A_70 = vector.shape_cast %swap3A_69 : vector<1x16xf32> to vector<16xf32>
      %swap3A_71 = vector.shape_cast %broadcast_in_dim3A_66 : vector<16xf32> to vector<1x16xf32>
      tpu.vector_store %arg6[%swap3A_67, %swap3A_68], %swap3A_71 {strides = array<i32>} : memref<104x128xf32, #tpu.memory_space<vmem>>, vector<1x16xf32>,
      %broadcast_in_dim3A_72 = arith.constant 1.000000e+00 : f32
      %broadcast_in_dim3A_73 = vector.broadcast %broadcast_in_dim3A_72 : f32 to vector<16xf32>
      %swap3A_74 = arith.index_cast %add3A_45 : i32 to index
      %swap3A_75 = arith.constant 64 : index
      %swap3A_76 = tpu.vector_load %arg6[%swap3A_74, %swap3A_75] {strides = array<i32>} : memref<104x128xf32, #tpu.memory_space<vmem>>, vector<1x16xf32>,
      %swap3A_77 = vector.shape_cast %swap3A_76 : vector<1x16xf32> to vector<16xf32>
      %swap3A_78 = vector.shape_cast %broadcast_in_dim3A_73 : vector<16xf32> to vector<1x16xf32>
      tpu.vector_store %arg6[%swap3A_74, %swap3A_75], %swap3A_78 {strides = array<i32>} : memref<104x128xf32, #tpu.memory_space<vmem>>, vector<1x16xf32>,
      %broadcast_in_dim3A_79 = arith.constant 1.000000e+00 : f32
      %broadcast_in_dim3A_80 = vector.broadcast %broadcast_in_dim3A_79 : f32 to vector<16xf32>
      %swap3A_81 = arith.index_cast %add3A_45 : i32 to index
      %swap3A_82 = arith.constant 80 : index
      %swap3A_83 = tpu.vector_load %arg6[%swap3A_81, %swap3A_82] {strides = array<i32>} : memref<104x128xf32, #tpu.memory_space<vmem>>, vector<1x16xf32>,
      %swap3A_84 = vector.shape_cast %swap3A_83 : vector<1x16xf32> to vector<16xf32>
      %swap3A_85 = vector.shape_cast %broadcast_in_dim3A_80 : vector<16xf32> to vector<1x16xf32>
      tpu.vector_store %arg6[%swap3A_81, %swap3A_82], %swap3A_85 {strides = array<i32>} : memref<104x128xf32, #tpu.memory_space<vmem>>, vector<1x16xf32>,
      %broadcast_in_dim3A_86 = arith.constant 1.000000e+00 : f32
      %broadcast_in_dim3A_87 = vector.broadcast %broadcast_in_dim3A_86 : f32 to vector<16xf32>
      %swap3A_88 = arith.index_cast %add3A_45 : i32 to index
      %swap3A_89 = arith.constant 96 : index
      %swap3A_90 = tpu.vector_load %arg6[%swap3A_88, %swap3A_89] {strides = array<i32>} : memref<104x128xf32, #tpu.memory_space<vmem>>, vector<1x16xf32>,
      %swap3A_91 = vector.shape_cast %swap3A_90 : vector<1x16xf32> to vector<16xf32>
      %swap3A_92 = vector.shape_cast %broadcast_in_dim3A_87 : vector<16xf32> to vector<1x16xf32>
      tpu.vector_store %arg6[%swap3A_88, %swap3A_89], %swap3A_92 {strides = array<i32>} : memref<104x128xf32, #tpu.memory_space<vmem>>, vector<1x16xf32>,
      %broadcast_in_dim3A_93 = arith.constant 1.000000e+00 : f32
      %broadcast_in_dim3A_94 = vector.broadcast %broadcast_in_dim3A_93 : f32 to vector<16xf32>
      %swap3A_95 = arith.index_cast %add3A_45 : i32 to index
      %swap3A_96 = arith.constant 112 : index
      %swap3A_97 = tpu.vector_load %arg6[%swap3A_95, %swap3A_96] {strides = array<i32>} : memref<104x128xf32, #tpu.memory_space<vmem>>, vector<1x16xf32>,
      %swap3A_98 = vector.shape_cast %swap3A_97 : vector<1x16xf32> to vector<16xf32>
      %swap3A_99 = vector.shape_cast %broadcast_in_dim3A_94 : vector<16xf32> to vector<1x16xf32>
      tpu.vector_store %arg6[%swap3A_95, %swap3A_96], %swap3A_99 {strides = array<i32>} : memref<104x128xf32, #tpu.memory_space<vmem>>, vector<1x16xf32>,
    }
    %scan3A_11 = arith.constant 104 : i32
    %lt3A = arith.constant 15 : i32
    %lt3A_12 = arith.cmpi slt, %arg1, %lt3A : i32
    %convert_element_type3A = arith.extui %lt3A_12 : i1 to i32
    %cond3A = arith.constant 0 : i32
    %cond3A_13 = arith.cmpi ne, %convert_element_type3A, %cond3A : i32
    scf.if %cond3A_13 {
      %mul3A_41 = arith.constant 624 : i32
      %mul3A_42 = arith.muli %arg1, %mul3A_41 : i32
      %dma_start3A_43 = arith.constant 0 : i32
      %dma_start3A_44 = tpu.memref_slice %arg7[%mul3A_42, %dma_start3A_43] : memref<10008x128xf32, #tpu.memory_space<vmem_shared>> -> memref<624x128xf32, #tpu.memory_space<vmem_shared>>
      %dma_start3A_45 = arith.constant 0 : i32
      %dma_start3A_46 = arith.constant 0 : i32
      %dma_start3A_47 = tpu.memref_slice %arg3[%dma_start3A_45, %dma_start3A_46] : memref<640x128xf32, #tpu.memory_space<hbm>> -> memref<624x128xf32, #tpu.memory_space<hbm>>
      tpu.enqueue_dma source(%dma_start3A_47 : memref<624x128xf32, #tpu.memory_space<hbm>>) target(%dma_start3A_44 : memref<624x128xf32, #tpu.memory_space<vmem_shared>>) target_semaphore(%arg9 : memref<!tpu.dma_semaphore, #tpu.memory_space<semaphore_mem>>)
      %dma_wait3A_48 = arith.constant 0 : i32
      %dma_wait3A_49 = tpu.memref_slice %arg7[%mul3A_42, %dma_wait3A_48] : memref<10008x128xf32, #tpu.memory_space<vmem_shared>> -> memref<624x128xf32, #tpu.memory_space<vmem_shared>>
      %dma_wait3A_50 = arith.constant 0 : i32
      %dma_wait3A_51 = arith.constant 0 : i32
      %dma_wait3A_52 = tpu.memref_slice %arg3[%dma_wait3A_50, %dma_wait3A_51] : memref<640x128xf32, #tpu.memory_space<hbm>> -> memref<624x128xf32, #tpu.memory_space<hbm>>
      tpu.wait_dma2 semaphore(%arg9 : memref<!tpu.dma_semaphore, #tpu.memory_space<semaphore_mem>>) src(%dma_wait3A_52 : memref<624x128xf32, #tpu.memory_space<hbm>>) dst(%dma_wait3A_49 : memref<624x128xf32, #tpu.memory_space<vmem_shared>>)
    } else {
    }
    %eq3A = arith.constant 15 : i32
    %eq3A_14 = arith.cmpi eq, %arg1, %eq3A : i32
    %convert_element_type3A_15 = arith.extui %eq3A_14 : i1 to i32
    %cond3A_16 = arith.constant 0 : i32
    %cond3A_17 = arith.cmpi ne, %convert_element_type3A_15, %cond3A_16 : i32
    scf.if %cond3A_17 {
      %dma_start3A_41 = arith.constant 9360 : i32
      %dma_start3A_42 = arith.constant 0 : i32
      %dma_start3A_43 = tpu.memref_slice %arg7[%dma_start3A_41, %dma_start3A_42] : memref<10008x128xf32, #tpu.memory_space<vmem_shared>> -> memref<640x128xf32, #tpu.memory_space<vmem_shared>>
      %dma_start3A_44 = arith.constant 0 : i32
      %dma_start3A_45 = arith.constant 0 : i32
      %dma_start3A_46 = tpu.memref_slice %arg3[%dma_start3A_44, %dma_start3A_45] : memref<640x128xf32, #tpu.memory_space<hbm>> -> memref<640x128xf32, #tpu.memory_space<hbm>>
      tpu.enqueue_dma source(%dma_start3A_46 : memref<640x128xf32, #tpu.memory_space<hbm>>) target(%dma_start3A_43 : memref<640x128xf32, #tpu.memory_space<vmem_shared>>) target_semaphore(%arg9 : memref<!tpu.dma_semaphore, #tpu.memory_space<semaphore_mem>>)
      %dma_wait3A_47 = arith.constant 9360 : i32
      %dma_wait3A_48 = arith.constant 0 : i32
      %dma_wait3A_49 = tpu.memref_slice %arg7[%dma_wait3A_47, %dma_wait3A_48] : memref<10008x128xf32, #tpu.memory_space<vmem_shared>> -> memref<640x128xf32, #tpu.memory_space<vmem_shared>>
      %dma_wait3A_50 = arith.constant 0 : i32
      %dma_wait3A_51 = arith.constant 0 : i32
      %dma_wait3A_52 = tpu.memref_slice %arg3[%dma_wait3A_50, %dma_wait3A_51] : memref<640x128xf32, #tpu.memory_space<hbm>> -> memref<640x128xf32, #tpu.memory_space<hbm>>
      tpu.wait_dma2 semaphore(%arg9 : memref<!tpu.dma_semaphore, #tpu.memory_space<semaphore_mem>>) src(%dma_wait3A_52 : memref<640x128xf32, #tpu.memory_space<hbm>>) dst(%dma_wait3A_49 : memref<640x128xf32, #tpu.memory_space<vmem_shared>>)
    } else {
    }
    %dma_wait3A = arith.constant 0 : i32
    %dma_wait3A_18 = arith.constant 0 : i32
    %dma_wait3A_19 = tpu.memref_slice %arg2[%add3A, %dma_wait3A, %dma_wait3A_18] : memref<32x97x104xi32, #tpu.memory_space<hbm>> -> memref<1x97x104xi32, #tpu.memory_space<hbm>>
    %dma_wait3A_20 = tpu.memref_squeeze %dma_wait3A_19 : memref<1x97x104xi32, #tpu.memory_space<hbm>> -> memref<97x104xi32, #tpu.memory_space<hbm>>
    %dma_wait3A_21 = arith.constant 0 : i32
    %dma_wait3A_22 = arith.constant 0 : i32
    %dma_wait3A_23 = tpu.memref_slice %arg2[%add3A, %dma_wait3A_21, %dma_wait3A_22] : memref<32x97x104xi32, #tpu.memory_space<hbm>> -> memref<1x97x104xi32, #tpu.memory_space<hbm>>
    %dma_wait3A_24 = tpu.memref_squeeze %dma_wait3A_23 : memref<1x97x104xi32, #tpu.memory_space<hbm>> -> memref<97x104xi32, #tpu.memory_space<hbm>>
    tpu.wait_dma2 semaphore(%arg8 : memref<!tpu.dma_semaphore, #tpu.memory_space<semaphore_mem>>) src(%dma_wait3A_24 : memref<97x104xi32, #tpu.memory_space<hbm>>) dst(%arg5 : memref<97x104xi32, #tpu.memory_space<vmem>>)
    %barrier3A = arith.constant 0 : index
    tpu.barrier barrier_id(%barrier3A)
    %scan3A_25 = arith.constant 0 : i32
    %scan3A_26 = arith.constant 48 : i32
    %scan3A_27 = arith.addi %scan3A_25, %scan3A_26 : i32
    %scan3A_28 = arith.constant 1 : i32
    scf.for %scan3A_41 = %scan3A_25 to %scan3A_27 step %scan3A_28  : i32 {
      %mul3A_42 = arith.constant 2 : i32
      %mul3A_43 = arith.muli %scan3A_41, %mul3A_42 : i32
      %add3A_44 = arith.constant 0 : i32
      %add3A_45 = arith.addi %add3A_44, %mul3A_43 : i32
      %dma_start3A_46 = arith.constant 0 : i32
      %dma_start3A_47 = tpu.memref_slice %arg5[%add3A_45, %dma_start3A_46] : memref<97x104xi32, #tpu.memory_space<vmem>> -> memref<1x104xi32, #tpu.memory_space<vmem>>
      %dma_start3A_48 = tpu.memref_squeeze %dma_start3A_47 : memref<1x104xi32, #tpu.memory_space<vmem>> -> memref<104xi32, #tpu.memory_space<vmem>>
      %dma_start3A_49 = arith.constant 0 : i32
      %dma_start3A_50 = arith.constant 0 : i32
      %dma_start3A_51 = tpu.memref_slice %arg7[%dma_start3A_49, %dma_start3A_50] : memref<10008x128xf32, #tpu.memory_space<vmem_shared>> -> memref<10008x128xf32, #tpu.memory_space<vmem_shared>>
      tpu.enqueue_indirect_dma source(%arg6 : memref<104x128xf32, #tpu.memory_space<vmem>>) target(%dma_start3A_51 : memref<10008x128xf32, #tpu.memory_space<vmem_shared>>) offsets(%dma_start3A_48 : memref<104xi32, #tpu.memory_space<vmem>>) semaphore(%arg8 : memref<!tpu.dma_semaphore, #tpu.memory_space<semaphore_mem>>) {add = true}
      %add3A_52 = arith.constant 1 : i32
      %add3A_53 = arith.addi %add3A_45, %add3A_52 : i32
      %dma_start3A_54 = arith.constant 0 : i32
      %dma_start3A_55 = tpu.memref_slice %arg5[%add3A_53, %dma_start3A_54] : memref<97x104xi32, #tpu.memory_space<vmem>> -> memref<1x104xi32, #tpu.memory_space<vmem>>
      %dma_start3A_56 = tpu.memref_squeeze %dma_start3A_55 : memref<1x104xi32, #tpu.memory_space<vmem>> -> memref<104xi32, #tpu.memory_space<vmem>>
      %dma_start3A_57 = arith.constant 0 : i32
      %dma_start3A_58 = arith.constant 0 : i32
      %dma_start3A_59 = tpu.memref_slice %arg7[%dma_start3A_57, %dma_start3A_58] : memref<10008x128xf32, #tpu.memory_space<vmem_shared>> -> memref<10008x128xf32, #tpu.memory_space<vmem_shared>>
      tpu.enqueue_indirect_dma source(%arg6 : memref<104x128xf32, #tpu.memory_space<vmem>>) target(%dma_start3A_59 : memref<10008x128xf32, #tpu.memory_space<vmem_shared>>) offsets(%dma_start3A_56 : memref<104xi32, #tpu.memory_space<vmem>>) semaphore(%arg9 : memref<!tpu.dma_semaphore, #tpu.memory_space<semaphore_mem>>) {add = true}
      %dma_wait3A_60 = arith.constant 0 : i32
      %dma_wait3A_61 = tpu.memref_slice %arg5[%add3A_45, %dma_wait3A_60] : memref<97x104xi32, #tpu.memory_space<vmem>> -> memref<1x104xi32, #tpu.memory_space<vmem>>
      %dma_wait3A_62 = tpu.memref_squeeze %dma_wait3A_61 : memref<1x104xi32, #tpu.memory_space<vmem>> -> memref<104xi32, #tpu.memory_space<vmem>>
      %dma_wait3A_63 = arith.constant 0 : i32
      %dma_wait3A_64 = arith.constant 0 : i32
      %dma_wait3A_65 = tpu.memref_slice %arg7[%dma_wait3A_63, %dma_wait3A_64] : memref<10008x128xf32, #tpu.memory_space<vmem_shared>> -> memref<10008x128xf32, #tpu.memory_space<vmem_shared>>
      tpu.wait_indirect_dma semaphore(%arg8 : memref<!tpu.dma_semaphore, #tpu.memory_space<semaphore_mem>>) src(%arg6 : memref<104x128xf32, #tpu.memory_space<vmem>>) dst(%dma_wait3A_65 : memref<10008x128xf32, #tpu.memory_space<vmem_shared>>)
      %dma_wait3A_66 = arith.constant 0 : i32
      %dma_wait3A_67 = tpu.memref_slice %arg5[%add3A_53, %dma_wait3A_66] : memref<97x104xi32, #tpu.memory_space<vmem>> -> memref<1x104xi32, #tpu.memory_space<vmem>>
      %dma_wait3A_68 = tpu.memref_squeeze %dma_wait3A_67 : memref<1x104xi32, #tpu.memory_space<vmem>> -> memref<104xi32, #tpu.memory_space<vmem>>
      %dma_wait3A_69 = arith.constant 0 : i32
      %dma_wait3A_70 = arith.constant 0 : i32
      %dma_wait3A_71 = tpu.memref_slice %arg7[%dma_wait3A_69, %dma_wait3A_70] : memref<10008x128xf32, #tpu.memory_space<vmem_shared>> -> memref<10008x128xf32, #tpu.memory_space<vmem_shared>>
      tpu.wait_indirect_dma semaphore(%arg9 : memref<!tpu.dma_semaphore, #tpu.memory_space<semaphore_mem>>) src(%arg6 : memref<104x128xf32, #tpu.memory_space<vmem>>) dst(%dma_wait3A_71 : memref<10008x128xf32, #tpu.memory_space<vmem_shared>>)
    }
    %scan3A_29 = arith.constant 48 : i32
    %run_scoped3A = arith.constant 96 : i32
    "tpu.region"() ({
      %run_scoped3A_41 = tpu.sem_alloc : memref<!tpu.dma_semaphore, #tpu.memory_space<semaphore_mem>>
      %dma_start3A_42 = arith.constant 0 : i32
      %dma_start3A_43 = tpu.memref_slice %arg5[%run_scoped3A, %dma_start3A_42] : memref<97x104xi32, #tpu.memory_space<vmem>> -> memref<1x104xi32, #tpu.memory_space<vmem>>
      %dma_start3A_44 = tpu.memref_squeeze %dma_start3A_43 : memref<1x104xi32, #tpu.memory_space<vmem>> -> memref<104xi32, #tpu.memory_space<vmem>>
      %dma_start3A_45 = arith.constant 0 : i32
      %dma_start3A_46 = arith.constant 0 : i32
      %dma_start3A_47 = tpu.memref_slice %arg7[%dma_start3A_45, %dma_start3A_46] : memref<10008x128xf32, #tpu.memory_space<vmem_shared>> -> memref<10008x128xf32, #tpu.memory_space<vmem_shared>>
      tpu.enqueue_indirect_dma source(%arg6 : memref<104x128xf32, #tpu.memory_space<vmem>>) target(%dma_start3A_47 : memref<10008x128xf32, #tpu.memory_space<vmem_shared>>) offsets(%dma_start3A_44 : memref<104xi32, #tpu.memory_space<vmem>>) semaphore(%run_scoped3A_41 : memref<!tpu.dma_semaphore, #tpu.memory_space<semaphore_mem>>) {add = true}
      %dma_wait3A_48 = arith.constant 0 : i32
      %dma_wait3A_49 = tpu.memref_slice %arg5[%run_scoped3A, %dma_wait3A_48] : memref<97x104xi32, #tpu.memory_space<vmem>> -> memref<1x104xi32, #tpu.memory_space<vmem>>
      %dma_wait3A_50 = tpu.memref_squeeze %dma_wait3A_49 : memref<1x104xi32, #tpu.memory_space<vmem>> -> memref<104xi32, #tpu.memory_space<vmem>>
      %dma_wait3A_51 = arith.constant 0 : i32
      %dma_wait3A_52 = arith.constant 0 : i32
      %dma_wait3A_53 = tpu.memref_slice %arg7[%dma_wait3A_51, %dma_wait3A_52] : memref<10008x128xf32, #tpu.memory_space<vmem_shared>> -> memref<10008x128xf32, #tpu.memory_space<vmem_shared>>
      tpu.wait_indirect_dma semaphore(%run_scoped3A_41 : memref<!tpu.dma_semaphore, #tpu.memory_space<semaphore_mem>>) src(%arg6 : memref<104x128xf32, #tpu.memory_space<vmem>>) dst(%dma_wait3A_53 : memref<10008x128xf32, #tpu.memory_space<vmem_shared>>)
      tpu.yield
    }) : () -> ()
    %barrier3A_30 = arith.constant 0 : index
    tpu.barrier barrier_id(%barrier3A_30)
    %lt3A_31 = arith.constant 15 : i32
    %lt3A_32 = arith.cmpi slt, %arg1, %lt3A_31 : i32
    %convert_element_type3A_33 = arith.extui %lt3A_32 : i1 to i32
    %cond3A_34 = arith.constant 0 : i32
    %cond3A_35 = arith.cmpi ne, %convert_element_type3A_33, %cond3A_34 : i32
    scf.if %cond3A_35 {
      %mul3A_41 = arith.constant 624 : i32
      %mul3A_42 = arith.muli %arg1, %mul3A_41 : i32
      %mul3A_43 = arith.constant 624 : i32
      %mul3A_44 = arith.muli %arg1, %mul3A_43 : i32
      "tpu.region"() ({
        %run_scoped3A_45 = tpu.sem_alloc : memref<!tpu.dma_semaphore, #tpu.memory_space<semaphore_mem>>
        %dma_start3A_46 = arith.constant 0 : i32
        %dma_start3A_47 = tpu.memref_slice %arg4[%arg0, %mul3A_44, %dma_start3A_46] : memref<2x10000x128xf32, #tpu.memory_space<hbm>> -> memref<1x624x128xf32, #tpu.memory_space<hbm>>
        %dma_start3A_48 = tpu.memref_squeeze %dma_start3A_47 : memref<1x624x128xf32, #tpu.memory_space<hbm>> -> memref<624x128xf32, #tpu.memory_space<hbm>>
        %dma_start3A_49 = arith.constant 0 : i32
        %dma_start3A_50 = tpu.memref_slice %arg7[%mul3A_42, %dma_start3A_49] : memref<10008x128xf32, #tpu.memory_space<vmem_shared>> -> memref<624x128xf32, #tpu.memory_space<vmem_shared>>
        tpu.enqueue_dma source(%dma_start3A_50 : memref<624x128xf32, #tpu.memory_space<vmem_shared>>) target(%dma_start3A_48 : memref<624x128xf32, #tpu.memory_space<hbm>>) target_semaphore(%run_scoped3A_45 : memref<!tpu.dma_semaphore, #tpu.memory_space<semaphore_mem>>)
        %dma_wait3A_51 = arith.constant 0 : i32
        %dma_wait3A_52 = tpu.memref_slice %arg4[%arg0, %mul3A_44, %dma_wait3A_51] : memref<2x10000x128xf32, #tpu.memory_space<hbm>> -> memref<1x624x128xf32, #tpu.memory_space<hbm>>
        %dma_wait3A_53 = tpu.memref_squeeze %dma_wait3A_52 : memref<1x624x128xf32, #tpu.memory_space<hbm>> -> memref<624x128xf32, #tpu.memory_space<hbm>>
        %dma_wait3A_54 = arith.constant 0 : i32
        %dma_wait3A_55 = tpu.memref_slice %arg7[%mul3A_42, %dma_wait3A_54] : memref<10008x128xf32, #tpu.memory_space<vmem_shared>> -> memref<624x128xf32, #tpu.memory_space<vmem_shared>>
        tpu.wait_dma2 semaphore(%run_scoped3A_45 : memref<!tpu.dma_semaphore, #tpu.memory_space<semaphore_mem>>) src(%dma_wait3A_55 : memref<624x128xf32, #tpu.memory_space<vmem_shared>>) dst(%dma_wait3A_53 : memref<624x128xf32, #tpu.memory_space<hbm>>)
        tpu.yield
      }) : () -> ()
    } else {
    }
    %eq3A_36 = arith.constant 15 : i32
    %eq3A_37 = arith.cmpi eq, %arg1, %eq3A_36 : i32
    %convert_element_type3A_38 = arith.extui %eq3A_37 : i1 to i32
    %cond3A_39 = arith.constant 0 : i32
    %cond3A_40 = arith.cmpi ne, %convert_element_type3A_38, %cond3A_39 : i32
    scf.if %cond3A_40 {
      "tpu.region"() ({
        %run_scoped3A_41 = tpu.sem_alloc : memref<!tpu.dma_semaphore, #tpu.memory_space<semaphore_mem>>
        %dma_start3A_42 = arith.constant 9360 : i32
        %dma_start3A_43 = arith.constant 0 : i32
        %dma_start3A_44 = tpu.memref_slice %arg4[%arg0, %dma_start3A_42, %dma_start3A_43] : memref<2x10000x128xf32, #tpu.memory_space<hbm>> -> memref<1x640x128xf32, #tpu.memory_space<hbm>>
        %dma_start3A_45 = tpu.memref_squeeze %dma_start3A_44 : memref<1x640x128xf32, #tpu.memory_space<hbm>> -> memref<640x128xf32, #tpu.memory_space<hbm>>
        %dma_start3A_46 = arith.constant 9360 : i32
        %dma_start3A_47 = arith.constant 0 : i32
        %dma_start3A_48 = tpu.memref_slice %arg7[%dma_start3A_46, %dma_start3A_47] : memref<10008x128xf32, #tpu.memory_space<vmem_shared>> -> memref<640x128xf32, #tpu.memory_space<vmem_shared>>
        tpu.enqueue_dma source(%dma_start3A_48 : memref<640x128xf32, #tpu.memory_space<vmem_shared>>) target(%dma_start3A_45 : memref<640x128xf32, #tpu.memory_space<hbm>>) target_semaphore(%run_scoped3A_41 : memref<!tpu.dma_semaphore, #tpu.memory_space<semaphore_mem>>)
        %dma_wait3A_49 = arith.constant 9360 : i32
        %dma_wait3A_50 = arith.constant 0 : i32
        %dma_wait3A_51 = tpu.memref_slice %arg4[%arg0, %dma_wait3A_49, %dma_wait3A_50] : memref<2x10000x128xf32, #tpu.memory_space<hbm>> -> memref<1x640x128xf32, #tpu.memory_space<hbm>>
        %dma_wait3A_52 = tpu.memref_squeeze %dma_wait3A_51 : memref<1x640x128xf32, #tpu.memory_space<hbm>> -> memref<640x128xf32, #tpu.memory_space<hbm>>
        %dma_wait3A_53 = arith.constant 9360 : i32
        %dma_wait3A_54 = arith.constant 0 : i32
        %dma_wait3A_55 = tpu.memref_slice %arg7[%dma_wait3A_53, %dma_wait3A_54] : memref<10008x128xf32, #tpu.memory_space<vmem_shared>> -> memref<640x128xf32, #tpu.memory_space<vmem_shared>>
        tpu.wait_dma2 semaphore(%run_scoped3A_41 : memref<!tpu.dma_semaphore, #tpu.memory_space<semaphore_mem>>) src(%dma_wait3A_55 : memref<640x128xf32, #tpu.memory_space<vmem_shared>>) dst(%dma_wait3A_52 : memref<640x128xf32, #tpu.memory_space<hbm>>)
        tpu.yield
      }) : () -> ()
    } else {
    }
    return
  }
}

#map = affine_map<(d0, d1) -> (0, 0)>
#map1 = affine_map<(d0, d1) -> (0, 0, 0)>
module attributes {stable_mosaic.version = 14 : i64} {
  func.func @_seg_body(%arg0: i32, %arg1: i32, %arg2: memref<10008x128xf32, #tpu.memory_space<hbm>>, %arg3: memref<32x10088xi32, #tpu.memory_space<hbm>>, %arg4: memref<32x97x104xi32, #tpu.memory_space<hbm>>, %arg5: memref<640x128xf32, #tpu.memory_space<hbm>>, %arg6: memref<2x10000x128xf32, #tpu.memory_space<hbm>>, %arg7: memref<10088xi32, #tpu.memory_space<vmem>>, %arg8: memref<97x104xi32, #tpu.memory_space<vmem>>, %arg9: memref<104x128xf32, #tpu.memory_space<vmem>>, %arg10: memref<104x128xf32, #tpu.memory_space<vmem>>, %arg11: memref<10008x128xf32, #tpu.memory_space<vmem_shared>>, %arg12: memref<!tpu.dma_semaphore, #tpu.memory_space<semaphore_mem>>, %arg13: memref<!tpu.dma_semaphore, #tpu.memory_space<semaphore_mem>>, %arg14: memref<!tpu.dma_semaphore, #tpu.memory_space<semaphore_mem>>, %arg15: memref<!tpu.dma_semaphore, #tpu.memory_space<semaphore_mem>>) attributes {dimension_semantics = [#tpu.dimension_semantics<core_parallel>, #tpu.dimension_semantics<subcore_parallel>], iteration_bounds = array<i64: 2, 16>, scalar_prefetch = 0 : i64, scratch_operands = 9 : i64, tpu.core_type = #tpu.core_type<sc_vector_subcore>, window_params = [{transform_indices = #map}, {transform_indices = #map}, {transform_indices = #map1}, {transform_indices = #map}, {transform_indices = #map1}]} {
    %mul3A = arith.constant 16 : i32
    %mul3A_0 = arith.muli %arg0, %mul3A : i32
    %add3A = arith.addi %mul3A_0, %arg1 : i32
    %dma_start3A = arith.constant 0 : i32
    %dma_start3A_1 = tpu.memref_slice %arg3[%add3A, %dma_start3A] : memref<32x10088xi32, #tpu.memory_space<hbm>> -> memref<1x10088xi32, #tpu.memory_space<hbm>>
    %dma_start3A_2 = tpu.memref_squeeze %dma_start3A_1 : memref<1x10088xi32, #tpu.memory_space<hbm>> -> memref<10088xi32, #tpu.memory_space<hbm>>
    %dma_start3A_3 = arith.constant 0 : i32
    %dma_start3A_4 = tpu.memref_slice %arg3[%add3A, %dma_start3A_3] : memref<32x10088xi32, #tpu.memory_space<hbm>> -> memref<1x10088xi32, #tpu.memory_space<hbm>>
    %dma_start3A_5 = tpu.memref_squeeze %dma_start3A_4 : memref<1x10088xi32, #tpu.memory_space<hbm>> -> memref<10088xi32, #tpu.memory_space<hbm>>
    tpu.enqueue_dma source(%dma_start3A_5 : memref<10088xi32, #tpu.memory_space<hbm>>) target(%arg7 : memref<10088xi32, #tpu.memory_space<vmem>>) target_semaphore(%arg12 : memref<!tpu.dma_semaphore, #tpu.memory_space<semaphore_mem>>)
    %dma_start3A_6 = arith.constant 0 : i32
    %dma_start3A_7 = arith.constant 0 : i32
    %dma_start3A_8 = tpu.memref_slice %arg4[%add3A, %dma_start3A_6, %dma_start3A_7] : memref<32x97x104xi32, #tpu.memory_space<hbm>> -> memref<1x97x104xi32, #tpu.memory_space<hbm>>
    %dma_start3A_9 = tpu.memref_squeeze %dma_start3A_8 : memref<1x97x104xi32, #tpu.memory_space<hbm>> -> memref<97x104xi32, #tpu.memory_space<hbm>>
    %dma_start3A_10 = arith.constant 0 : i32
    %dma_start3A_11 = arith.constant 0 : i32
    %dma_start3A_12 = tpu.memref_slice %arg4[%add3A, %dma_start3A_10, %dma_start3A_11] : memref<32x97x104xi32, #tpu.memory_space<hbm>> -> memref<1x97x104xi32, #tpu.memory_space<hbm>>
    %dma_start3A_13 = tpu.memref_squeeze %dma_start3A_12 : memref<1x97x104xi32, #tpu.memory_space<hbm>> -> memref<97x104xi32, #tpu.memory_space<hbm>>
    tpu.enqueue_dma source(%dma_start3A_13 : memref<97x104xi32, #tpu.memory_space<hbm>>) target(%arg8 : memref<97x104xi32, #tpu.memory_space<vmem>>) target_semaphore(%arg13 : memref<!tpu.dma_semaphore, #tpu.memory_space<semaphore_mem>>)
    %lt3A = arith.constant 15 : i32
    %lt3A_14 = arith.cmpi slt, %arg1, %lt3A : i32
    %convert_element_type3A = arith.extui %lt3A_14 : i1 to i32
    %cond3A = arith.constant 0 : i32
    %cond3A_15 = arith.cmpi ne, %convert_element_type3A, %cond3A : i32
    scf.if %cond3A_15 {
      %mul3A_48 = arith.constant 624 : i32
      %mul3A_49 = arith.muli %arg1, %mul3A_48 : i32
      %dma_start3A_50 = arith.constant 0 : i32
      %dma_start3A_51 = tpu.memref_slice %arg11[%mul3A_49, %dma_start3A_50] : memref<10008x128xf32, #tpu.memory_space<vmem_shared>> -> memref<624x128xf32, #tpu.memory_space<vmem_shared>>
      %dma_start3A_52 = arith.constant 0 : i32
      %dma_start3A_53 = arith.constant 0 : i32
      %dma_start3A_54 = tpu.memref_slice %arg5[%dma_start3A_52, %dma_start3A_53] : memref<640x128xf32, #tpu.memory_space<hbm>> -> memref<624x128xf32, #tpu.memory_space<hbm>>
      tpu.enqueue_dma source(%dma_start3A_54 : memref<624x128xf32, #tpu.memory_space<hbm>>) target(%dma_start3A_51 : memref<624x128xf32, #tpu.memory_space<vmem_shared>>) target_semaphore(%arg14 : memref<!tpu.dma_semaphore, #tpu.memory_space<semaphore_mem>>)
      %dma_wait3A_55 = arith.constant 0 : i32
      %dma_wait3A_56 = tpu.memref_slice %arg11[%mul3A_49, %dma_wait3A_55] : memref<10008x128xf32, #tpu.memory_space<vmem_shared>> -> memref<624x128xf32, #tpu.memory_space<vmem_shared>>
      %dma_wait3A_57 = arith.constant 0 : i32
      %dma_wait3A_58 = arith.constant 0 : i32
      %dma_wait3A_59 = tpu.memref_slice %arg5[%dma_wait3A_57, %dma_wait3A_58] : memref<640x128xf32, #tpu.memory_space<hbm>> -> memref<624x128xf32, #tpu.memory_space<hbm>>
      tpu.wait_dma2 semaphore(%arg14 : memref<!tpu.dma_semaphore, #tpu.memory_space<semaphore_mem>>) src(%dma_wait3A_59 : memref<624x128xf32, #tpu.memory_space<hbm>>) dst(%dma_wait3A_56 : memref<624x128xf32, #tpu.memory_space<vmem_shared>>)
    } else {
    }
    %eq3A = arith.constant 15 : i32
    %eq3A_16 = arith.cmpi eq, %arg1, %eq3A : i32
    %convert_element_type3A_17 = arith.extui %eq3A_16 : i1 to i32
    %cond3A_18 = arith.constant 0 : i32
    %cond3A_19 = arith.cmpi ne, %convert_element_type3A_17, %cond3A_18 : i32
    scf.if %cond3A_19 {
      %dma_start3A_48 = arith.constant 9360 : i32
      %dma_start3A_49 = arith.constant 0 : i32
      %dma_start3A_50 = tpu.memref_slice %arg11[%dma_start3A_48, %dma_start3A_49] : memref<10008x128xf32, #tpu.memory_space<vmem_shared>> -> memref<640x128xf32, #tpu.memory_space<vmem_shared>>
      %dma_start3A_51 = arith.constant 0 : i32
      %dma_start3A_52 = arith.constant 0 : i32
      %dma_start3A_53 = tpu.memref_slice %arg5[%dma_start3A_51, %dma_start3A_52] : memref<640x128xf32, #tpu.memory_space<hbm>> -> memref<640x128xf32, #tpu.memory_space<hbm>>
      tpu.enqueue_dma source(%dma_start3A_53 : memref<640x128xf32, #tpu.memory_space<hbm>>) target(%dma_start3A_50 : memref<640x128xf32, #tpu.memory_space<vmem_shared>>) target_semaphore(%arg14 : memref<!tpu.dma_semaphore, #tpu.memory_space<semaphore_mem>>)
      %dma_wait3A_54 = arith.constant 9360 : i32
      %dma_wait3A_55 = arith.constant 0 : i32
      %dma_wait3A_56 = tpu.memref_slice %arg11[%dma_wait3A_54, %dma_wait3A_55] : memref<10008x128xf32, #tpu.memory_space<vmem_shared>> -> memref<640x128xf32, #tpu.memory_space<vmem_shared>>
      %dma_wait3A_57 = arith.constant 0 : i32
      %dma_wait3A_58 = arith.constant 0 : i32
      %dma_wait3A_59 = tpu.memref_slice %arg5[%dma_wait3A_57, %dma_wait3A_58] : memref<640x128xf32, #tpu.memory_space<hbm>> -> memref<640x128xf32, #tpu.memory_space<hbm>>
      tpu.wait_dma2 semaphore(%arg14 : memref<!tpu.dma_semaphore, #tpu.memory_space<semaphore_mem>>) src(%dma_wait3A_59 : memref<640x128xf32, #tpu.memory_space<hbm>>) dst(%dma_wait3A_56 : memref<640x128xf32, #tpu.memory_space<vmem_shared>>)
    } else {
    }
    %dma_wait3A = arith.constant 0 : i32
    %dma_wait3A_20 = tpu.memref_slice %arg3[%add3A, %dma_wait3A] : memref<32x10088xi32, #tpu.memory_space<hbm>> -> memref<1x10088xi32, #tpu.memory_space<hbm>>
    %dma_wait3A_21 = tpu.memref_squeeze %dma_wait3A_20 : memref<1x10088xi32, #tpu.memory_space<hbm>> -> memref<10088xi32, #tpu.memory_space<hbm>>
    %dma_wait3A_22 = arith.constant 0 : i32
    %dma_wait3A_23 = tpu.memref_slice %arg3[%add3A, %dma_wait3A_22] : memref<32x10088xi32, #tpu.memory_space<hbm>> -> memref<1x10088xi32, #tpu.memory_space<hbm>>
    %dma_wait3A_24 = tpu.memref_squeeze %dma_wait3A_23 : memref<1x10088xi32, #tpu.memory_space<hbm>> -> memref<10088xi32, #tpu.memory_space<hbm>>
    tpu.wait_dma2 semaphore(%arg12 : memref<!tpu.dma_semaphore, #tpu.memory_space<semaphore_mem>>) src(%dma_wait3A_24 : memref<10088xi32, #tpu.memory_space<hbm>>) dst(%arg7 : memref<10088xi32, #tpu.memory_space<vmem>>)
    %dma_wait3A_25 = arith.constant 0 : i32
    %dma_wait3A_26 = arith.constant 0 : i32
    %dma_wait3A_27 = tpu.memref_slice %arg4[%add3A, %dma_wait3A_25, %dma_wait3A_26] : memref<32x97x104xi32, #tpu.memory_space<hbm>> -> memref<1x97x104xi32, #tpu.memory_space<hbm>>
    %dma_wait3A_28 = tpu.memref_squeeze %dma_wait3A_27 : memref<1x97x104xi32, #tpu.memory_space<hbm>> -> memref<97x104xi32, #tpu.memory_space<hbm>>
    %dma_wait3A_29 = arith.constant 0 : i32
    %dma_wait3A_30 = arith.constant 0 : i32
    %dma_wait3A_31 = tpu.memref_slice %arg4[%add3A, %dma_wait3A_29, %dma_wait3A_30] : memref<32x97x104xi32, #tpu.memory_space<hbm>> -> memref<1x97x104xi32, #tpu.memory_space<hbm>>
    %dma_wait3A_32 = tpu.memref_squeeze %dma_wait3A_31 : memref<1x97x104xi32, #tpu.memory_space<hbm>> -> memref<97x104xi32, #tpu.memory_space<hbm>>
    tpu.wait_dma2 semaphore(%arg13 : memref<!tpu.dma_semaphore, #tpu.memory_space<semaphore_mem>>) src(%dma_wait3A_32 : memref<97x104xi32, #tpu.memory_space<hbm>>) dst(%arg8 : memref<97x104xi32, #tpu.memory_space<vmem>>)
    %barrier3A = arith.constant 0 : index
    tpu.barrier barrier_id(%barrier3A)
    "tpu.region"() ({
      %run_scoped3A_48 = tpu.sem_alloc : memref<!tpu.dma_semaphore, #tpu.memory_space<semaphore_mem>>
      %dma_start3A_49 = arith.constant 0 : i32
      %dma_start3A_50 = tpu.memref_slice %arg7[%dma_start3A_49] : memref<10088xi32, #tpu.memory_space<vmem>> -> memref<104xi32, #tpu.memory_space<vmem>>
      %dma_start3A_51 = arith.constant 0 : i32
      %dma_start3A_52 = arith.constant 0 : i32
      %dma_start3A_53 = tpu.memref_slice %arg2[%dma_start3A_51, %dma_start3A_52] : memref<10008x128xf32, #tpu.memory_space<hbm>> -> memref<10008x128xf32, #tpu.memory_space<hbm>>
      tpu.enqueue_indirect_dma source(%dma_start3A_53 : memref<10008x128xf32, #tpu.memory_space<hbm>>) target(%arg9 : memref<104x128xf32, #tpu.memory_space<vmem>>) offsets(%dma_start3A_50 : memref<104xi32, #tpu.memory_space<vmem>>) semaphore(%run_scoped3A_48 : memref<!tpu.dma_semaphore, #tpu.memory_space<semaphore_mem>>)
      %dma_wait3A_54 = arith.constant 0 : i32
      %dma_wait3A_55 = tpu.memref_slice %arg7[%dma_wait3A_54] : memref<10088xi32, #tpu.memory_space<vmem>> -> memref<104xi32, #tpu.memory_space<vmem>>
      %dma_wait3A_56 = arith.constant 0 : i32
      %dma_wait3A_57 = arith.constant 0 : i32
      %dma_wait3A_58 = tpu.memref_slice %arg2[%dma_wait3A_56, %dma_wait3A_57] : memref<10008x128xf32, #tpu.memory_space<hbm>> -> memref<10008x128xf32, #tpu.memory_space<hbm>>
      tpu.wait_indirect_dma semaphore(%run_scoped3A_48 : memref<!tpu.dma_semaphore, #tpu.memory_space<semaphore_mem>>) src(%dma_wait3A_58 : memref<10008x128xf32, #tpu.memory_space<hbm>>) dst(%arg9 : memref<104x128xf32, #tpu.memory_space<vmem>>)
      tpu.yield
    }) : () -> ()
    %scan3A = arith.constant 0 : i32
    %scan3A_33 = arith.constant 48 : i32
    %scan3A_34 = arith.addi %scan3A, %scan3A_33 : i32
    %scan3A_35 = arith.constant 1 : i32
    scf.for %scan3A_48 = %scan3A to %scan3A_34 step %scan3A_35  : i32 {
      %mul3A_49 = arith.constant 2 : i32
      %mul3A_50 = arith.muli %scan3A_48, %mul3A_49 : i32
      %add3A_51 = arith.constant 0 : i32
      %add3A_52 = arith.addi %add3A_51, %mul3A_50 : i32
      %add3A_53 = arith.constant 1 : i32
      %add3A_54 = arith.addi %add3A_52, %add3A_53 : i32
      %mul3A_55 = arith.constant 104 : i32
      %mul3A_56 = arith.muli %add3A_54, %mul3A_55 : i32
      %dma_start3A_57 = tpu.memref_slice %arg7[%mul3A_56] : memref<10088xi32, #tpu.memory_space<vmem>> -> memref<104xi32, #tpu.memory_space<vmem>>
      %dma_start3A_58 = arith.constant 0 : i32
      %dma_start3A_59 = arith.constant 0 : i32
      %dma_start3A_60 = tpu.memref_slice %arg2[%dma_start3A_58, %dma_start3A_59] : memref<10008x128xf32, #tpu.memory_space<hbm>> -> memref<10008x128xf32, #tpu.memory_space<hbm>>
      tpu.enqueue_indirect_dma source(%dma_start3A_60 : memref<10008x128xf32, #tpu.memory_space<hbm>>) target(%arg10 : memref<104x128xf32, #tpu.memory_space<vmem>>) offsets(%dma_start3A_57 : memref<104xi32, #tpu.memory_space<vmem>>) semaphore(%arg13 : memref<!tpu.dma_semaphore, #tpu.memory_space<semaphore_mem>>)
      %dma_start3A_61 = arith.constant 0 : i32
      %dma_start3A_62 = tpu.memref_slice %arg8[%add3A_52, %dma_start3A_61] : memref<97x104xi32, #tpu.memory_space<vmem>> -> memref<1x104xi32, #tpu.memory_space<vmem>>
      %dma_start3A_63 = tpu.memref_squeeze %dma_start3A_62 : memref<1x104xi32, #tpu.memory_space<vmem>> -> memref<104xi32, #tpu.memory_space<vmem>>
      %dma_start3A_64 = arith.constant 0 : i32
      %dma_start3A_65 = arith.constant 0 : i32
      %dma_start3A_66 = tpu.memref_slice %arg11[%dma_start3A_64, %dma_start3A_65] : memref<10008x128xf32, #tpu.memory_space<vmem_shared>> -> memref<10008x128xf32, #tpu.memory_space<vmem_shared>>
      tpu.enqueue_indirect_dma source(%arg9 : memref<104x128xf32, #tpu.memory_space<vmem>>) target(%dma_start3A_66 : memref<10008x128xf32, #tpu.memory_space<vmem_shared>>) offsets(%dma_start3A_63 : memref<104xi32, #tpu.memory_space<vmem>>) semaphore(%arg14 : memref<!tpu.dma_semaphore, #tpu.memory_space<semaphore_mem>>) {add = true}
      %dma_wait3A_67 = tpu.memref_slice %arg7[%mul3A_56] : memref<10088xi32, #tpu.memory_space<vmem>> -> memref<104xi32, #tpu.memory_space<vmem>>
      %dma_wait3A_68 = arith.constant 0 : i32
      %dma_wait3A_69 = arith.constant 0 : i32
      %dma_wait3A_70 = tpu.memref_slice %arg2[%dma_wait3A_68, %dma_wait3A_69] : memref<10008x128xf32, #tpu.memory_space<hbm>> -> memref<10008x128xf32, #tpu.memory_space<hbm>>
      tpu.wait_indirect_dma semaphore(%arg13 : memref<!tpu.dma_semaphore, #tpu.memory_space<semaphore_mem>>) src(%dma_wait3A_70 : memref<10008x128xf32, #tpu.memory_space<hbm>>) dst(%arg10 : memref<104x128xf32, #tpu.memory_space<vmem>>)
      %dma_wait3A_71 = arith.constant 0 : i32
      %dma_wait3A_72 = tpu.memref_slice %arg8[%add3A_52, %dma_wait3A_71] : memref<97x104xi32, #tpu.memory_space<vmem>> -> memref<1x104xi32, #tpu.memory_space<vmem>>
      %dma_wait3A_73 = tpu.memref_squeeze %dma_wait3A_72 : memref<1x104xi32, #tpu.memory_space<vmem>> -> memref<104xi32, #tpu.memory_space<vmem>>
      %dma_wait3A_74 = arith.constant 0 : i32
      %dma_wait3A_75 = arith.constant 0 : i32
      %dma_wait3A_76 = tpu.memref_slice %arg11[%dma_wait3A_74, %dma_wait3A_75] : memref<10008x128xf32, #tpu.memory_space<vmem_shared>> -> memref<10008x128xf32, #tpu.memory_space<vmem_shared>>
      tpu.wait_indirect_dma semaphore(%arg14 : memref<!tpu.dma_semaphore, #tpu.memory_space<semaphore_mem>>) src(%arg9 : memref<104x128xf32, #tpu.memory_space<vmem>>) dst(%dma_wait3A_76 : memref<10008x128xf32, #tpu.memory_space<vmem_shared>>)
      %add3A_77 = arith.constant 2 : i32
      %add3A_78 = arith.addi %add3A_52, %add3A_77 : i32
      %mul3A_79 = arith.constant 104 : i32
      %mul3A_80 = arith.muli %add3A_78, %mul3A_79 : i32
      %dma_start3A_81 = tpu.memref_slice %arg7[%mul3A_80] : memref<10088xi32, #tpu.memory_space<vmem>> -> memref<104xi32, #tpu.memory_space<vmem>>
      %dma_start3A_82 = arith.constant 0 : i32
      %dma_start3A_83 = arith.constant 0 : i32
      %dma_start3A_84 = tpu.memref_slice %arg2[%dma_start3A_82, %dma_start3A_83] : memref<10008x128xf32, #tpu.memory_space<hbm>> -> memref<10008x128xf32, #tpu.memory_space<hbm>>
      tpu.enqueue_indirect_dma source(%dma_start3A_84 : memref<10008x128xf32, #tpu.memory_space<hbm>>) target(%arg9 : memref<104x128xf32, #tpu.memory_space<vmem>>) offsets(%dma_start3A_81 : memref<104xi32, #tpu.memory_space<vmem>>) semaphore(%arg12 : memref<!tpu.dma_semaphore, #tpu.memory_space<semaphore_mem>>)
      %add3A_85 = arith.constant 1 : i32
      %add3A_86 = arith.addi %add3A_52, %add3A_85 : i32
      %dma_start3A_87 = arith.constant 0 : i32
      %dma_start3A_88 = tpu.memref_slice %arg8[%add3A_86, %dma_start3A_87] : memref<97x104xi32, #tpu.memory_space<vmem>> -> memref<1x104xi32, #tpu.memory_space<vmem>>
      %dma_start3A_89 = tpu.memref_squeeze %dma_start3A_88 : memref<1x104xi32, #tpu.memory_space<vmem>> -> memref<104xi32, #tpu.memory_space<vmem>>
      %dma_start3A_90 = arith.constant 0 : i32
      %dma_start3A_91 = arith.constant 0 : i32
      %dma_start3A_92 = tpu.memref_slice %arg11[%dma_start3A_90, %dma_start3A_91] : memref<10008x128xf32, #tpu.memory_space<vmem_shared>> -> memref<10008x128xf32, #tpu.memory_space<vmem_shared>>
      tpu.enqueue_indirect_dma source(%arg10 : memref<104x128xf32, #tpu.memory_space<vmem>>) target(%dma_start3A_92 : memref<10008x128xf32, #tpu.memory_space<vmem_shared>>) offsets(%dma_start3A_89 : memref<104xi32, #tpu.memory_space<vmem>>) semaphore(%arg15 : memref<!tpu.dma_semaphore, #tpu.memory_space<semaphore_mem>>) {add = true}
      %dma_wait3A_93 = tpu.memref_slice %arg7[%mul3A_80] : memref<10088xi32, #tpu.memory_space<vmem>> -> memref<104xi32, #tpu.memory_space<vmem>>
      %dma_wait3A_94 = arith.constant 0 : i32
      %dma_wait3A_95 = arith.constant 0 : i32
      %dma_wait3A_96 = tpu.memref_slice %arg2[%dma_wait3A_94, %dma_wait3A_95] : memref<10008x128xf32, #tpu.memory_space<hbm>> -> memref<10008x128xf32, #tpu.memory_space<hbm>>
      tpu.wait_indirect_dma semaphore(%arg12 : memref<!tpu.dma_semaphore, #tpu.memory_space<semaphore_mem>>) src(%dma_wait3A_96 : memref<10008x128xf32, #tpu.memory_space<hbm>>) dst(%arg9 : memref<104x128xf32, #tpu.memory_space<vmem>>)
      %dma_wait3A_97 = arith.constant 0 : i32
      %dma_wait3A_98 = tpu.memref_slice %arg8[%add3A_86, %dma_wait3A_97] : memref<97x104xi32, #tpu.memory_space<vmem>> -> memref<1x104xi32, #tpu.memory_space<vmem>>
      %dma_wait3A_99 = tpu.memref_squeeze %dma_wait3A_98 : memref<1x104xi32, #tpu.memory_space<vmem>> -> memref<104xi32, #tpu.memory_space<vmem>>
      %dma_wait3A_100 = arith.constant 0 : i32
      %dma_wait3A_101 = arith.constant 0 : i32
      %dma_wait3A_102 = tpu.memref_slice %arg11[%dma_wait3A_100, %dma_wait3A_101] : memref<10008x128xf32, #tpu.memory_space<vmem_shared>> -> memref<10008x128xf32, #tpu.memory_space<vmem_shared>>
      tpu.wait_indirect_dma semaphore(%arg15 : memref<!tpu.dma_semaphore, #tpu.memory_space<semaphore_mem>>) src(%arg10 : memref<104x128xf32, #tpu.memory_space<vmem>>) dst(%dma_wait3A_102 : memref<10008x128xf32, #tpu.memory_space<vmem_shared>>)
    }
    %scan3A_36 = arith.constant 48 : i32
    %run_scoped3A = arith.constant 96 : i32
    "tpu.region"() ({
      %run_scoped3A_48 = tpu.sem_alloc : memref<!tpu.dma_semaphore, #tpu.memory_space<semaphore_mem>>
      %dma_start3A_49 = arith.constant 0 : i32
      %dma_start3A_50 = tpu.memref_slice %arg8[%run_scoped3A, %dma_start3A_49] : memref<97x104xi32, #tpu.memory_space<vmem>> -> memref<1x104xi32, #tpu.memory_space<vmem>>
      %dma_start3A_51 = tpu.memref_squeeze %dma_start3A_50 : memref<1x104xi32, #tpu.memory_space<vmem>> -> memref<104xi32, #tpu.memory_space<vmem>>
      %dma_start3A_52 = arith.constant 0 : i32
      %dma_start3A_53 = arith.constant 0 : i32
      %dma_start3A_54 = tpu.memref_slice %arg11[%dma_start3A_52, %dma_start3A_53] : memref<10008x128xf32, #tpu.memory_space<vmem_shared>> -> memref<10008x128xf32, #tpu.memory_space<vmem_shared>>
      tpu.enqueue_indirect_dma source(%arg9 : memref<104x128xf32, #tpu.memory_space<vmem>>) target(%dma_start3A_54 : memref<10008x128xf32, #tpu.memory_space<vmem_shared>>) offsets(%dma_start3A_51 : memref<104xi32, #tpu.memory_space<vmem>>) semaphore(%run_scoped3A_48 : memref<!tpu.dma_semaphore, #tpu.memory_space<semaphore_mem>>) {add = true}
      %dma_wait3A_55 = arith.constant 0 : i32
      %dma_wait3A_56 = tpu.memref_slice %arg8[%run_scoped3A, %dma_wait3A_55] : memref<97x104xi32, #tpu.memory_space<vmem>> -> memref<1x104xi32, #tpu.memory_space<vmem>>
      %dma_wait3A_57 = tpu.memref_squeeze %dma_wait3A_56 : memref<1x104xi32, #tpu.memory_space<vmem>> -> memref<104xi32, #tpu.memory_space<vmem>>
      %dma_wait3A_58 = arith.constant 0 : i32
      %dma_wait3A_59 = arith.constant 0 : i32
      %dma_wait3A_60 = tpu.memref_slice %arg11[%dma_wait3A_58, %dma_wait3A_59] : memref<10008x128xf32, #tpu.memory_space<vmem_shared>> -> memref<10008x128xf32, #tpu.memory_space<vmem_shared>>
      tpu.wait_indirect_dma semaphore(%run_scoped3A_48 : memref<!tpu.dma_semaphore, #tpu.memory_space<semaphore_mem>>) src(%arg9 : memref<104x128xf32, #tpu.memory_space<vmem>>) dst(%dma_wait3A_60 : memref<10008x128xf32, #tpu.memory_space<vmem_shared>>)
      tpu.yield
    }) : () -> ()
    %barrier3A_37 = arith.constant 0 : index
    tpu.barrier barrier_id(%barrier3A_37)
    %lt3A_38 = arith.constant 15 : i32
    %lt3A_39 = arith.cmpi slt, %arg1, %lt3A_38 : i32
    %convert_element_type3A_40 = arith.extui %lt3A_39 : i1 to i32
    %cond3A_41 = arith.constant 0 : i32
    %cond3A_42 = arith.cmpi ne, %convert_element_type3A_40, %cond3A_41 : i32
    scf.if %cond3A_42 {
      %mul3A_48 = arith.constant 624 : i32
      %mul3A_49 = arith.muli %arg1, %mul3A_48 : i32
      %mul3A_50 = arith.constant 624 : i32
      %mul3A_51 = arith.muli %arg1, %mul3A_50 : i32
      "tpu.region"() ({
        %run_scoped3A_52 = tpu.sem_alloc : memref<!tpu.dma_semaphore, #tpu.memory_space<semaphore_mem>>
        %dma_start3A_53 = arith.constant 0 : i32
        %dma_start3A_54 = tpu.memref_slice %arg6[%arg0, %mul3A_51, %dma_start3A_53] : memref<2x10000x128xf32, #tpu.memory_space<hbm>> -> memref<1x624x128xf32, #tpu.memory_space<hbm>>
        %dma_start3A_55 = tpu.memref_squeeze %dma_start3A_54 : memref<1x624x128xf32, #tpu.memory_space<hbm>> -> memref<624x128xf32, #tpu.memory_space<hbm>>
        %dma_start3A_56 = arith.constant 0 : i32
        %dma_start3A_57 = tpu.memref_slice %arg11[%mul3A_49, %dma_start3A_56] : memref<10008x128xf32, #tpu.memory_space<vmem_shared>> -> memref<624x128xf32, #tpu.memory_space<vmem_shared>>
        tpu.enqueue_dma source(%dma_start3A_57 : memref<624x128xf32, #tpu.memory_space<vmem_shared>>) target(%dma_start3A_55 : memref<624x128xf32, #tpu.memory_space<hbm>>) target_semaphore(%run_scoped3A_52 : memref<!tpu.dma_semaphore, #tpu.memory_space<semaphore_mem>>)
        %dma_wait3A_58 = arith.constant 0 : i32
        %dma_wait3A_59 = tpu.memref_slice %arg6[%arg0, %mul3A_51, %dma_wait3A_58] : memref<2x10000x128xf32, #tpu.memory_space<hbm>> -> memref<1x624x128xf32, #tpu.memory_space<hbm>>
        %dma_wait3A_60 = tpu.memref_squeeze %dma_wait3A_59 : memref<1x624x128xf32, #tpu.memory_space<hbm>> -> memref<624x128xf32, #tpu.memory_space<hbm>>
        %dma_wait3A_61 = arith.constant 0 : i32
        %dma_wait3A_62 = tpu.memref_slice %arg11[%mul3A_49, %dma_wait3A_61] : memref<10008x128xf32, #tpu.memory_space<vmem_shared>> -> memref<624x128xf32, #tpu.memory_space<vmem_shared>>
        tpu.wait_dma2 semaphore(%run_scoped3A_52 : memref<!tpu.dma_semaphore, #tpu.memory_space<semaphore_mem>>) src(%dma_wait3A_62 : memref<624x128xf32, #tpu.memory_space<vmem_shared>>) dst(%dma_wait3A_60 : memref<624x128xf32, #tpu.memory_space<hbm>>)
        tpu.yield
      }) : () -> ()
    } else {
    }
    %eq3A_43 = arith.constant 15 : i32
    %eq3A_44 = arith.cmpi eq, %arg1, %eq3A_43 : i32
    %convert_element_type3A_45 = arith.extui %eq3A_44 : i1 to i32
    %cond3A_46 = arith.constant 0 : i32
    %cond3A_47 = arith.cmpi ne, %convert_element_type3A_45, %cond3A_46 : i32
    scf.if %cond3A_47 {
      "tpu.region"() ({
        %run_scoped3A_48 = tpu.sem_alloc : memref<!tpu.dma_semaphore, #tpu.memory_space<semaphore_mem>>
        %dma_start3A_49 = arith.constant 9360 : i32
        %dma_start3A_50 = arith.constant 0 : i32
        %dma_start3A_51 = tpu.memref_slice %arg6[%arg0, %dma_start3A_49, %dma_start3A_50] : memref<2x10000x128xf32, #tpu.memory_space<hbm>> -> memref<1x640x128xf32, #tpu.memory_space<hbm>>
        %dma_start3A_52 = tpu.memref_squeeze %dma_start3A_51 : memref<1x640x128xf32, #tpu.memory_space<hbm>> -> memref<640x128xf32, #tpu.memory_space<hbm>>
        %dma_start3A_53 = arith.constant 9360 : i32
        %dma_start3A_54 = arith.constant 0 : i32
        %dma_start3A_55 = tpu.memref_slice %arg11[%dma_start3A_53, %dma_start3A_54] : memref<10008x128xf32, #tpu.memory_space<vmem_shared>> -> memref<640x128xf32, #tpu.memory_space<vmem_shared>>
        tpu.enqueue_dma source(%dma_start3A_55 : memref<640x128xf32, #tpu.memory_space<vmem_shared>>) target(%dma_start3A_52 : memref<640x128xf32, #tpu.memory_space<hbm>>) target_semaphore(%run_scoped3A_48 : memref<!tpu.dma_semaphore, #tpu.memory_space<semaphore_mem>>)
        %dma_wait3A_56 = arith.constant 9360 : i32
        %dma_wait3A_57 = arith.constant 0 : i32
        %dma_wait3A_58 = tpu.memref_slice %arg6[%arg0, %dma_wait3A_56, %dma_wait3A_57] : memref<2x10000x128xf32, #tpu.memory_space<hbm>> -> memref<1x640x128xf32, #tpu.memory_space<hbm>>
        %dma_wait3A_59 = tpu.memref_squeeze %dma_wait3A_58 : memref<1x640x128xf32, #tpu.memory_space<hbm>> -> memref<640x128xf32, #tpu.memory_space<hbm>>
        %dma_wait3A_60 = arith.constant 9360 : i32
        %dma_wait3A_61 = arith.constant 0 : i32
        %dma_wait3A_62 = tpu.memref_slice %arg11[%dma_wait3A_60, %dma_wait3A_61] : memref<10008x128xf32, #tpu.memory_space<vmem_shared>> -> memref<640x128xf32, #tpu.memory_space<vmem_shared>>
        tpu.wait_dma2 semaphore(%run_scoped3A_48 : memref<!tpu.dma_semaphore, #tpu.memory_space<semaphore_mem>>) src(%dma_wait3A_62 : memref<640x128xf32, #tpu.memory_space<vmem_shared>>) dst(%dma_wait3A_59 : memref<640x128xf32, #tpu.memory_space<hbm>>)
        tpu.yield
      }) : () -> ()
    } else {
    }
    return
  }
}

#map = affine_map<(d0, d1) -> (0, 0)>
#map1 = affine_map<(d0, d1) -> (0, 0, 0)>
module attributes {stable_mosaic.version = 14 : i64} {
  func.func @_seg_body(%arg0: i32, %arg1: i32, %arg2: memref<10008x128xf32, #tpu.memory_space<hbm>>, %arg3: memref<32x10088xi32, #tpu.memory_space<hbm>>, %arg4: memref<32x97x104xi32, #tpu.memory_space<hbm>>, %arg5: memref<640x128xf32, #tpu.memory_space<hbm>>, %arg6: memref<2x10000x128xf32, #tpu.memory_space<hbm>>, %arg7: memref<10088xi32, #tpu.memory_space<vmem>>, %arg8: memref<97x104xi32, #tpu.memory_space<vmem>>, %arg9: memref<104x128xf32, #tpu.memory_space<vmem>>, %arg10: memref<104x128xf32, #tpu.memory_space<vmem>>, %arg11: memref<10008x128xf32, #tpu.memory_space<vmem_shared>>, %arg12: memref<!tpu.dma_semaphore, #tpu.memory_space<semaphore_mem>>, %arg13: memref<!tpu.dma_semaphore, #tpu.memory_space<semaphore_mem>>, %arg14: memref<!tpu.dma_semaphore, #tpu.memory_space<semaphore_mem>>, %arg15: memref<!tpu.dma_semaphore, #tpu.memory_space<semaphore_mem>>) attributes {dimension_semantics = [#tpu.dimension_semantics<core_parallel>, #tpu.dimension_semantics<subcore_parallel>], iteration_bounds = array<i64: 2, 16>, scalar_prefetch = 0 : i64, scratch_operands = 9 : i64, tpu.core_type = #tpu.core_type<sc_vector_subcore>, window_params = [{transform_indices = #map}, {transform_indices = #map}, {transform_indices = #map1}, {transform_indices = #map}, {transform_indices = #map1}]} {
    %mul3A = arith.constant 16 : i32
    %mul3A_0 = arith.muli %arg0, %mul3A : i32
    %add3A = arith.addi %mul3A_0, %arg1 : i32
    %dma_start3A = arith.constant 0 : i32
    %dma_start3A_1 = tpu.memref_slice %arg3[%add3A, %dma_start3A] : memref<32x10088xi32, #tpu.memory_space<hbm>> -> memref<1x10088xi32, #tpu.memory_space<hbm>>
    %dma_start3A_2 = tpu.memref_squeeze %dma_start3A_1 : memref<1x10088xi32, #tpu.memory_space<hbm>> -> memref<10088xi32, #tpu.memory_space<hbm>>
    %dma_start3A_3 = arith.constant 0 : i32
    %dma_start3A_4 = tpu.memref_slice %arg3[%add3A, %dma_start3A_3] : memref<32x10088xi32, #tpu.memory_space<hbm>> -> memref<1x10088xi32, #tpu.memory_space<hbm>>
    %dma_start3A_5 = tpu.memref_squeeze %dma_start3A_4 : memref<1x10088xi32, #tpu.memory_space<hbm>> -> memref<10088xi32, #tpu.memory_space<hbm>>
    tpu.enqueue_dma source(%dma_start3A_5 : memref<10088xi32, #tpu.memory_space<hbm>>) target(%arg7 : memref<10088xi32, #tpu.memory_space<vmem>>) target_semaphore(%arg12 : memref<!tpu.dma_semaphore, #tpu.memory_space<semaphore_mem>>)
    %dma_start3A_6 = arith.constant 0 : i32
    %dma_start3A_7 = arith.constant 0 : i32
    %dma_start3A_8 = tpu.memref_slice %arg4[%add3A, %dma_start3A_6, %dma_start3A_7] : memref<32x97x104xi32, #tpu.memory_space<hbm>> -> memref<1x97x104xi32, #tpu.memory_space<hbm>>
    %dma_start3A_9 = tpu.memref_squeeze %dma_start3A_8 : memref<1x97x104xi32, #tpu.memory_space<hbm>> -> memref<97x104xi32, #tpu.memory_space<hbm>>
    %dma_start3A_10 = arith.constant 0 : i32
    %dma_start3A_11 = arith.constant 0 : i32
    %dma_start3A_12 = tpu.memref_slice %arg4[%add3A, %dma_start3A_10, %dma_start3A_11] : memref<32x97x104xi32, #tpu.memory_space<hbm>> -> memref<1x97x104xi32, #tpu.memory_space<hbm>>
    %dma_start3A_13 = tpu.memref_squeeze %dma_start3A_12 : memref<1x97x104xi32, #tpu.memory_space<hbm>> -> memref<97x104xi32, #tpu.memory_space<hbm>>
    tpu.enqueue_dma source(%dma_start3A_13 : memref<97x104xi32, #tpu.memory_space<hbm>>) target(%arg8 : memref<97x104xi32, #tpu.memory_space<vmem>>) target_semaphore(%arg13 : memref<!tpu.dma_semaphore, #tpu.memory_space<semaphore_mem>>)
    %lt3A = arith.constant 15 : i32
    %lt3A_14 = arith.cmpi slt, %arg1, %lt3A : i32
    %convert_element_type3A = arith.extui %lt3A_14 : i1 to i32
    %cond3A = arith.constant 0 : i32
    %cond3A_15 = arith.cmpi ne, %convert_element_type3A, %cond3A : i32
    scf.if %cond3A_15 {
      %mul3A_48 = arith.constant 624 : i32
      %mul3A_49 = arith.muli %arg1, %mul3A_48 : i32
      %dma_start3A_50 = arith.constant 0 : i32
      %dma_start3A_51 = tpu.memref_slice %arg11[%mul3A_49, %dma_start3A_50] : memref<10008x128xf32, #tpu.memory_space<vmem_shared>> -> memref<624x128xf32, #tpu.memory_space<vmem_shared>>
      %dma_start3A_52 = arith.constant 0 : i32
      %dma_start3A_53 = arith.constant 0 : i32
      %dma_start3A_54 = tpu.memref_slice %arg5[%dma_start3A_52, %dma_start3A_53] : memref<640x128xf32, #tpu.memory_space<hbm>> -> memref<624x128xf32, #tpu.memory_space<hbm>>
      tpu.enqueue_dma source(%dma_start3A_54 : memref<624x128xf32, #tpu.memory_space<hbm>>) target(%dma_start3A_51 : memref<624x128xf32, #tpu.memory_space<vmem_shared>>) target_semaphore(%arg14 : memref<!tpu.dma_semaphore, #tpu.memory_space<semaphore_mem>>)
      %dma_wait3A_55 = arith.constant 0 : i32
      %dma_wait3A_56 = tpu.memref_slice %arg11[%mul3A_49, %dma_wait3A_55] : memref<10008x128xf32, #tpu.memory_space<vmem_shared>> -> memref<624x128xf32, #tpu.memory_space<vmem_shared>>
      %dma_wait3A_57 = arith.constant 0 : i32
      %dma_wait3A_58 = arith.constant 0 : i32
      %dma_wait3A_59 = tpu.memref_slice %arg5[%dma_wait3A_57, %dma_wait3A_58] : memref<640x128xf32, #tpu.memory_space<hbm>> -> memref<624x128xf32, #tpu.memory_space<hbm>>
      tpu.wait_dma2 semaphore(%arg14 : memref<!tpu.dma_semaphore, #tpu.memory_space<semaphore_mem>>) src(%dma_wait3A_59 : memref<624x128xf32, #tpu.memory_space<hbm>>) dst(%dma_wait3A_56 : memref<624x128xf32, #tpu.memory_space<vmem_shared>>)
    } else {
    }
    %eq3A = arith.constant 15 : i32
    %eq3A_16 = arith.cmpi eq, %arg1, %eq3A : i32
    %convert_element_type3A_17 = arith.extui %eq3A_16 : i1 to i32
    %cond3A_18 = arith.constant 0 : i32
    %cond3A_19 = arith.cmpi ne, %convert_element_type3A_17, %cond3A_18 : i32
    scf.if %cond3A_19 {
      %dma_start3A_48 = arith.constant 9360 : i32
      %dma_start3A_49 = arith.constant 0 : i32
      %dma_start3A_50 = tpu.memref_slice %arg11[%dma_start3A_48, %dma_start3A_49] : memref<10008x128xf32, #tpu.memory_space<vmem_shared>> -> memref<640x128xf32, #tpu.memory_space<vmem_shared>>
      %dma_start3A_51 = arith.constant 0 : i32
      %dma_start3A_52 = arith.constant 0 : i32
      %dma_start3A_53 = tpu.memref_slice %arg5[%dma_start3A_51, %dma_start3A_52] : memref<640x128xf32, #tpu.memory_space<hbm>> -> memref<640x128xf32, #tpu.memory_space<hbm>>
      tpu.enqueue_dma source(%dma_start3A_53 : memref<640x128xf32, #tpu.memory_space<hbm>>) target(%dma_start3A_50 : memref<640x128xf32, #tpu.memory_space<vmem_shared>>) target_semaphore(%arg14 : memref<!tpu.dma_semaphore, #tpu.memory_space<semaphore_mem>>)
      %dma_wait3A_54 = arith.constant 9360 : i32
      %dma_wait3A_55 = arith.constant 0 : i32
      %dma_wait3A_56 = tpu.memref_slice %arg11[%dma_wait3A_54, %dma_wait3A_55] : memref<10008x128xf32, #tpu.memory_space<vmem_shared>> -> memref<640x128xf32, #tpu.memory_space<vmem_shared>>
      %dma_wait3A_57 = arith.constant 0 : i32
      %dma_wait3A_58 = arith.constant 0 : i32
      %dma_wait3A_59 = tpu.memref_slice %arg5[%dma_wait3A_57, %dma_wait3A_58] : memref<640x128xf32, #tpu.memory_space<hbm>> -> memref<640x128xf32, #tpu.memory_space<hbm>>
      tpu.wait_dma2 semaphore(%arg14 : memref<!tpu.dma_semaphore, #tpu.memory_space<semaphore_mem>>) src(%dma_wait3A_59 : memref<640x128xf32, #tpu.memory_space<hbm>>) dst(%dma_wait3A_56 : memref<640x128xf32, #tpu.memory_space<vmem_shared>>)
    } else {
    }
    %dma_wait3A = arith.constant 0 : i32
    %dma_wait3A_20 = tpu.memref_slice %arg3[%add3A, %dma_wait3A] : memref<32x10088xi32, #tpu.memory_space<hbm>> -> memref<1x10088xi32, #tpu.memory_space<hbm>>
    %dma_wait3A_21 = tpu.memref_squeeze %dma_wait3A_20 : memref<1x10088xi32, #tpu.memory_space<hbm>> -> memref<10088xi32, #tpu.memory_space<hbm>>
    %dma_wait3A_22 = arith.constant 0 : i32
    %dma_wait3A_23 = tpu.memref_slice %arg3[%add3A, %dma_wait3A_22] : memref<32x10088xi32, #tpu.memory_space<hbm>> -> memref<1x10088xi32, #tpu.memory_space<hbm>>
    %dma_wait3A_24 = tpu.memref_squeeze %dma_wait3A_23 : memref<1x10088xi32, #tpu.memory_space<hbm>> -> memref<10088xi32, #tpu.memory_space<hbm>>
    tpu.wait_dma2 semaphore(%arg12 : memref<!tpu.dma_semaphore, #tpu.memory_space<semaphore_mem>>) src(%dma_wait3A_24 : memref<10088xi32, #tpu.memory_space<hbm>>) dst(%arg7 : memref<10088xi32, #tpu.memory_space<vmem>>)
    %dma_wait3A_25 = arith.constant 0 : i32
    %dma_wait3A_26 = arith.constant 0 : i32
    %dma_wait3A_27 = tpu.memref_slice %arg4[%add3A, %dma_wait3A_25, %dma_wait3A_26] : memref<32x97x104xi32, #tpu.memory_space<hbm>> -> memref<1x97x104xi32, #tpu.memory_space<hbm>>
    %dma_wait3A_28 = tpu.memref_squeeze %dma_wait3A_27 : memref<1x97x104xi32, #tpu.memory_space<hbm>> -> memref<97x104xi32, #tpu.memory_space<hbm>>
    %dma_wait3A_29 = arith.constant 0 : i32
    %dma_wait3A_30 = arith.constant 0 : i32
    %dma_wait3A_31 = tpu.memref_slice %arg4[%add3A, %dma_wait3A_29, %dma_wait3A_30] : memref<32x97x104xi32, #tpu.memory_space<hbm>> -> memref<1x97x104xi32, #tpu.memory_space<hbm>>
    %dma_wait3A_32 = tpu.memref_squeeze %dma_wait3A_31 : memref<1x97x104xi32, #tpu.memory_space<hbm>> -> memref<97x104xi32, #tpu.memory_space<hbm>>
    tpu.wait_dma2 semaphore(%arg13 : memref<!tpu.dma_semaphore, #tpu.memory_space<semaphore_mem>>) src(%dma_wait3A_32 : memref<97x104xi32, #tpu.memory_space<hbm>>) dst(%arg8 : memref<97x104xi32, #tpu.memory_space<vmem>>)
    %barrier3A = arith.constant 0 : index
    tpu.barrier barrier_id(%barrier3A)
    "tpu.region"() ({
      %run_scoped3A_48 = tpu.sem_alloc : memref<!tpu.dma_semaphore, #tpu.memory_space<semaphore_mem>>
      %dma_start3A_49 = arith.constant 0 : i32
      %dma_start3A_50 = tpu.memref_slice %arg7[%dma_start3A_49] : memref<10088xi32, #tpu.memory_space<vmem>> -> memref<104xi32, #tpu.memory_space<vmem>>
      %dma_start3A_51 = arith.constant 0 : i32
      %dma_start3A_52 = arith.constant 0 : i32
      %dma_start3A_53 = tpu.memref_slice %arg2[%dma_start3A_51, %dma_start3A_52] : memref<10008x128xf32, #tpu.memory_space<hbm>> -> memref<10008x128xf32, #tpu.memory_space<hbm>>
      tpu.enqueue_indirect_dma source(%dma_start3A_53 : memref<10008x128xf32, #tpu.memory_space<hbm>>) target(%arg9 : memref<104x128xf32, #tpu.memory_space<vmem>>) offsets(%dma_start3A_50 : memref<104xi32, #tpu.memory_space<vmem>>) semaphore(%run_scoped3A_48 : memref<!tpu.dma_semaphore, #tpu.memory_space<semaphore_mem>>)
      %dma_wait3A_54 = arith.constant 0 : i32
      %dma_wait3A_55 = tpu.memref_slice %arg7[%dma_wait3A_54] : memref<10088xi32, #tpu.memory_space<vmem>> -> memref<104xi32, #tpu.memory_space<vmem>>
      %dma_wait3A_56 = arith.constant 0 : i32
      %dma_wait3A_57 = arith.constant 0 : i32
      %dma_wait3A_58 = tpu.memref_slice %arg2[%dma_wait3A_56, %dma_wait3A_57] : memref<10008x128xf32, #tpu.memory_space<hbm>> -> memref<10008x128xf32, #tpu.memory_space<hbm>>
      tpu.wait_indirect_dma semaphore(%run_scoped3A_48 : memref<!tpu.dma_semaphore, #tpu.memory_space<semaphore_mem>>) src(%dma_wait3A_58 : memref<10008x128xf32, #tpu.memory_space<hbm>>) dst(%arg9 : memref<104x128xf32, #tpu.memory_space<vmem>>)
      tpu.yield
    }) : () -> ()
    %scan3A = arith.constant 0 : i32
    %scan3A_33 = arith.constant 48 : i32
    %scan3A_34 = arith.addi %scan3A, %scan3A_33 : i32
    %scan3A_35 = arith.constant 1 : i32
    scf.for %scan3A_48 = %scan3A to %scan3A_34 step %scan3A_35  : i32 {
      %mul3A_49 = arith.constant 2 : i32
      %mul3A_50 = arith.muli %scan3A_48, %mul3A_49 : i32
      %add3A_51 = arith.constant 0 : i32
      %add3A_52 = arith.addi %add3A_51, %mul3A_50 : i32
      %add3A_53 = arith.constant 1 : i32
      %add3A_54 = arith.addi %add3A_52, %add3A_53 : i32
      %mul3A_55 = arith.constant 104 : i32
      %mul3A_56 = arith.muli %add3A_54, %mul3A_55 : i32
      %dma_start3A_57 = tpu.memref_slice %arg7[%mul3A_56] : memref<10088xi32, #tpu.memory_space<vmem>> -> memref<104xi32, #tpu.memory_space<vmem>>
      %dma_start3A_58 = arith.constant 0 : i32
      %dma_start3A_59 = arith.constant 0 : i32
      %dma_start3A_60 = tpu.memref_slice %arg2[%dma_start3A_58, %dma_start3A_59] : memref<10008x128xf32, #tpu.memory_space<hbm>> -> memref<10008x128xf32, #tpu.memory_space<hbm>>
      tpu.enqueue_indirect_dma source(%dma_start3A_60 : memref<10008x128xf32, #tpu.memory_space<hbm>>) target(%arg10 : memref<104x128xf32, #tpu.memory_space<vmem>>) offsets(%dma_start3A_57 : memref<104xi32, #tpu.memory_space<vmem>>) semaphore(%arg13 : memref<!tpu.dma_semaphore, #tpu.memory_space<semaphore_mem>>)
      %dma_start3A_61 = arith.constant 0 : i32
      %dma_start3A_62 = tpu.memref_slice %arg8[%add3A_52, %dma_start3A_61] : memref<97x104xi32, #tpu.memory_space<vmem>> -> memref<1x104xi32, #tpu.memory_space<vmem>>
      %dma_start3A_63 = tpu.memref_squeeze %dma_start3A_62 : memref<1x104xi32, #tpu.memory_space<vmem>> -> memref<104xi32, #tpu.memory_space<vmem>>
      %dma_start3A_64 = arith.constant 0 : i32
      %dma_start3A_65 = arith.constant 0 : i32
      %dma_start3A_66 = tpu.memref_slice %arg11[%dma_start3A_64, %dma_start3A_65] : memref<10008x128xf32, #tpu.memory_space<vmem_shared>> -> memref<10008x128xf32, #tpu.memory_space<vmem_shared>>
      tpu.enqueue_indirect_dma source(%arg9 : memref<104x128xf32, #tpu.memory_space<vmem>>) target(%dma_start3A_66 : memref<10008x128xf32, #tpu.memory_space<vmem_shared>>) offsets(%dma_start3A_63 : memref<104xi32, #tpu.memory_space<vmem>>) semaphore(%arg14 : memref<!tpu.dma_semaphore, #tpu.memory_space<semaphore_mem>>) {add = true}
      %dma_wait3A_67 = tpu.memref_slice %arg7[%mul3A_56] : memref<10088xi32, #tpu.memory_space<vmem>> -> memref<104xi32, #tpu.memory_space<vmem>>
      %dma_wait3A_68 = arith.constant 0 : i32
      %dma_wait3A_69 = arith.constant 0 : i32
      %dma_wait3A_70 = tpu.memref_slice %arg2[%dma_wait3A_68, %dma_wait3A_69] : memref<10008x128xf32, #tpu.memory_space<hbm>> -> memref<10008x128xf32, #tpu.memory_space<hbm>>
      tpu.wait_indirect_dma semaphore(%arg13 : memref<!tpu.dma_semaphore, #tpu.memory_space<semaphore_mem>>) src(%dma_wait3A_70 : memref<10008x128xf32, #tpu.memory_space<hbm>>) dst(%arg10 : memref<104x128xf32, #tpu.memory_space<vmem>>)
      %dma_wait3A_71 = arith.constant 0 : i32
      %dma_wait3A_72 = tpu.memref_slice %arg8[%add3A_52, %dma_wait3A_71] : memref<97x104xi32, #tpu.memory_space<vmem>> -> memref<1x104xi32, #tpu.memory_space<vmem>>
      %dma_wait3A_73 = tpu.memref_squeeze %dma_wait3A_72 : memref<1x104xi32, #tpu.memory_space<vmem>> -> memref<104xi32, #tpu.memory_space<vmem>>
      %dma_wait3A_74 = arith.constant 0 : i32
      %dma_wait3A_75 = arith.constant 0 : i32
      %dma_wait3A_76 = tpu.memref_slice %arg11[%dma_wait3A_74, %dma_wait3A_75] : memref<10008x128xf32, #tpu.memory_space<vmem_shared>> -> memref<10008x128xf32, #tpu.memory_space<vmem_shared>>
      tpu.wait_indirect_dma semaphore(%arg14 : memref<!tpu.dma_semaphore, #tpu.memory_space<semaphore_mem>>) src(%arg9 : memref<104x128xf32, #tpu.memory_space<vmem>>) dst(%dma_wait3A_76 : memref<10008x128xf32, #tpu.memory_space<vmem_shared>>)
      %add3A_77 = arith.constant 2 : i32
      %add3A_78 = arith.addi %add3A_52, %add3A_77 : i32
      %mul3A_79 = arith.constant 104 : i32
      %mul3A_80 = arith.muli %add3A_78, %mul3A_79 : i32
      %dma_start3A_81 = tpu.memref_slice %arg7[%mul3A_80] : memref<10088xi32, #tpu.memory_space<vmem>> -> memref<104xi32, #tpu.memory_space<vmem>>
      %dma_start3A_82 = arith.constant 0 : i32
      %dma_start3A_83 = arith.constant 0 : i32
      %dma_start3A_84 = tpu.memref_slice %arg2[%dma_start3A_82, %dma_start3A_83] : memref<10008x128xf32, #tpu.memory_space<hbm>> -> memref<10008x128xf32, #tpu.memory_space<hbm>>
      tpu.enqueue_indirect_dma source(%dma_start3A_84 : memref<10008x128xf32, #tpu.memory_space<hbm>>) target(%arg9 : memref<104x128xf32, #tpu.memory_space<vmem>>) offsets(%dma_start3A_81 : memref<104xi32, #tpu.memory_space<vmem>>) semaphore(%arg12 : memref<!tpu.dma_semaphore, #tpu.memory_space<semaphore_mem>>)
      %add3A_85 = arith.constant 1 : i32
      %add3A_86 = arith.addi %add3A_52, %add3A_85 : i32
      %dma_start3A_87 = arith.constant 0 : i32
      %dma_start3A_88 = tpu.memref_slice %arg8[%add3A_86, %dma_start3A_87] : memref<97x104xi32, #tpu.memory_space<vmem>> -> memref<1x104xi32, #tpu.memory_space<vmem>>
      %dma_start3A_89 = tpu.memref_squeeze %dma_start3A_88 : memref<1x104xi32, #tpu.memory_space<vmem>> -> memref<104xi32, #tpu.memory_space<vmem>>
      %dma_start3A_90 = arith.constant 0 : i32
      %dma_start3A_91 = arith.constant 0 : i32
      %dma_start3A_92 = tpu.memref_slice %arg11[%dma_start3A_90, %dma_start3A_91] : memref<10008x128xf32, #tpu.memory_space<vmem_shared>> -> memref<10008x128xf32, #tpu.memory_space<vmem_shared>>
      tpu.enqueue_indirect_dma source(%arg10 : memref<104x128xf32, #tpu.memory_space<vmem>>) target(%dma_start3A_92 : memref<10008x128xf32, #tpu.memory_space<vmem_shared>>) offsets(%dma_start3A_89 : memref<104xi32, #tpu.memory_space<vmem>>) semaphore(%arg15 : memref<!tpu.dma_semaphore, #tpu.memory_space<semaphore_mem>>) {add = true}
      %dma_wait3A_93 = tpu.memref_slice %arg7[%mul3A_80] : memref<10088xi32, #tpu.memory_space<vmem>> -> memref<104xi32, #tpu.memory_space<vmem>>
      %dma_wait3A_94 = arith.constant 0 : i32
      %dma_wait3A_95 = arith.constant 0 : i32
      %dma_wait3A_96 = tpu.memref_slice %arg2[%dma_wait3A_94, %dma_wait3A_95] : memref<10008x128xf32, #tpu.memory_space<hbm>> -> memref<10008x128xf32, #tpu.memory_space<hbm>>
      tpu.wait_indirect_dma semaphore(%arg12 : memref<!tpu.dma_semaphore, #tpu.memory_space<semaphore_mem>>) src(%dma_wait3A_96 : memref<10008x128xf32, #tpu.memory_space<hbm>>) dst(%arg9 : memref<104x128xf32, #tpu.memory_space<vmem>>)
      %dma_wait3A_97 = arith.constant 0 : i32
      %dma_wait3A_98 = tpu.memref_slice %arg8[%add3A_86, %dma_wait3A_97] : memref<97x104xi32, #tpu.memory_space<vmem>> -> memref<1x104xi32, #tpu.memory_space<vmem>>
      %dma_wait3A_99 = tpu.memref_squeeze %dma_wait3A_98 : memref<1x104xi32, #tpu.memory_space<vmem>> -> memref<104xi32, #tpu.memory_space<vmem>>
      %dma_wait3A_100 = arith.constant 0 : i32
      %dma_wait3A_101 = arith.constant 0 : i32
      %dma_wait3A_102 = tpu.memref_slice %arg11[%dma_wait3A_100, %dma_wait3A_101] : memref<10008x128xf32, #tpu.memory_space<vmem_shared>> -> memref<10008x128xf32, #tpu.memory_space<vmem_shared>>
      tpu.wait_indirect_dma semaphore(%arg15 : memref<!tpu.dma_semaphore, #tpu.memory_space<semaphore_mem>>) src(%arg10 : memref<104x128xf32, #tpu.memory_space<vmem>>) dst(%dma_wait3A_102 : memref<10008x128xf32, #tpu.memory_space<vmem_shared>>)
    }
    %scan3A_36 = arith.constant 48 : i32
    %run_scoped3A = arith.constant 96 : i32
    "tpu.region"() ({
      %run_scoped3A_48 = tpu.sem_alloc : memref<!tpu.dma_semaphore, #tpu.memory_space<semaphore_mem>>
      %dma_start3A_49 = arith.constant 0 : i32
      %dma_start3A_50 = tpu.memref_slice %arg8[%run_scoped3A, %dma_start3A_49] : memref<97x104xi32, #tpu.memory_space<vmem>> -> memref<1x104xi32, #tpu.memory_space<vmem>>
      %dma_start3A_51 = tpu.memref_squeeze %dma_start3A_50 : memref<1x104xi32, #tpu.memory_space<vmem>> -> memref<104xi32, #tpu.memory_space<vmem>>
      %dma_start3A_52 = arith.constant 0 : i32
      %dma_start3A_53 = arith.constant 0 : i32
      %dma_start3A_54 = tpu.memref_slice %arg11[%dma_start3A_52, %dma_start3A_53] : memref<10008x128xf32, #tpu.memory_space<vmem_shared>> -> memref<10008x128xf32, #tpu.memory_space<vmem_shared>>
      tpu.enqueue_indirect_dma source(%arg9 : memref<104x128xf32, #tpu.memory_space<vmem>>) target(%dma_start3A_54 : memref<10008x128xf32, #tpu.memory_space<vmem_shared>>) offsets(%dma_start3A_51 : memref<104xi32, #tpu.memory_space<vmem>>) semaphore(%run_scoped3A_48 : memref<!tpu.dma_semaphore, #tpu.memory_space<semaphore_mem>>) {add = true}
      %dma_wait3A_55 = arith.constant 0 : i32
      %dma_wait3A_56 = tpu.memref_slice %arg8[%run_scoped3A, %dma_wait3A_55] : memref<97x104xi32, #tpu.memory_space<vmem>> -> memref<1x104xi32, #tpu.memory_space<vmem>>
      %dma_wait3A_57 = tpu.memref_squeeze %dma_wait3A_56 : memref<1x104xi32, #tpu.memory_space<vmem>> -> memref<104xi32, #tpu.memory_space<vmem>>
      %dma_wait3A_58 = arith.constant 0 : i32
      %dma_wait3A_59 = arith.constant 0 : i32
      %dma_wait3A_60 = tpu.memref_slice %arg11[%dma_wait3A_58, %dma_wait3A_59] : memref<10008x128xf32, #tpu.memory_space<vmem_shared>> -> memref<10008x128xf32, #tpu.memory_space<vmem_shared>>
      tpu.wait_indirect_dma semaphore(%run_scoped3A_48 : memref<!tpu.dma_semaphore, #tpu.memory_space<semaphore_mem>>) src(%arg9 : memref<104x128xf32, #tpu.memory_space<vmem>>) dst(%dma_wait3A_60 : memref<10008x128xf32, #tpu.memory_space<vmem_shared>>)
      tpu.yield
    }) : () -> ()
    %barrier3A_37 = arith.constant 0 : index
    tpu.barrier barrier_id(%barrier3A_37)
    %lt3A_38 = arith.constant 15 : i32
    %lt3A_39 = arith.cmpi slt, %arg1, %lt3A_38 : i32
    %convert_element_type3A_40 = arith.extui %lt3A_39 : i1 to i32
    %cond3A_41 = arith.constant 0 : i32
    %cond3A_42 = arith.cmpi ne, %convert_element_type3A_40, %cond3A_41 : i32
    scf.if %cond3A_42 {
      %mul3A_48 = arith.constant 624 : i32
      %mul3A_49 = arith.muli %arg1, %mul3A_48 : i32
      %mul3A_50 = arith.constant 624 : i32
      %mul3A_51 = arith.muli %arg1, %mul3A_50 : i32
      "tpu.region"() ({
        %run_scoped3A_52 = tpu.sem_alloc : memref<!tpu.dma_semaphore, #tpu.memory_space<semaphore_mem>>
        %dma_start3A_53 = arith.constant 0 : i32
        %dma_start3A_54 = tpu.memref_slice %arg6[%arg0, %mul3A_51, %dma_start3A_53] : memref<2x10000x128xf32, #tpu.memory_space<hbm>> -> memref<1x624x128xf32, #tpu.memory_space<hbm>>
        %dma_start3A_55 = tpu.memref_squeeze %dma_start3A_54 : memref<1x624x128xf32, #tpu.memory_space<hbm>> -> memref<624x128xf32, #tpu.memory_space<hbm>>
        %dma_start3A_56 = arith.constant 0 : i32
        %dma_start3A_57 = tpu.memref_slice %arg11[%mul3A_49, %dma_start3A_56] : memref<10008x128xf32, #tpu.memory_space<vmem_shared>> -> memref<624x128xf32, #tpu.memory_space<vmem_shared>>
        tpu.enqueue_dma source(%dma_start3A_57 : memref<624x128xf32, #tpu.memory_space<vmem_shared>>) target(%dma_start3A_55 : memref<624x128xf32, #tpu.memory_space<hbm>>) target_semaphore(%run_scoped3A_52 : memref<!tpu.dma_semaphore, #tpu.memory_space<semaphore_mem>>)
        %dma_wait3A_58 = arith.constant 0 : i32
        %dma_wait3A_59 = tpu.memref_slice %arg6[%arg0, %mul3A_51, %dma_wait3A_58] : memref<2x10000x128xf32, #tpu.memory_space<hbm>> -> memref<1x624x128xf32, #tpu.memory_space<hbm>>
        %dma_wait3A_60 = tpu.memref_squeeze %dma_wait3A_59 : memref<1x624x128xf32, #tpu.memory_space<hbm>> -> memref<624x128xf32, #tpu.memory_space<hbm>>
        %dma_wait3A_61 = arith.constant 0 : i32
        %dma_wait3A_62 = tpu.memref_slice %arg11[%mul3A_49, %dma_wait3A_61] : memref<10008x128xf32, #tpu.memory_space<vmem_shared>> -> memref<624x128xf32, #tpu.memory_space<vmem_shared>>
        tpu.wait_dma2 semaphore(%run_scoped3A_52 : memref<!tpu.dma_semaphore, #tpu.memory_space<semaphore_mem>>) src(%dma_wait3A_62 : memref<624x128xf32, #tpu.memory_space<vmem_shared>>) dst(%dma_wait3A_60 : memref<624x128xf32, #tpu.memory_space<hbm>>)
        tpu.yield
      }) : () -> ()
    } else {
    }
    %eq3A_43 = arith.constant 15 : i32
    %eq3A_44 = arith.cmpi eq, %arg1, %eq3A_43 : i32
    %convert_element_type3A_45 = arith.extui %eq3A_44 : i1 to i32
    %cond3A_46 = arith.constant 0 : i32
    %cond3A_47 = arith.cmpi ne, %convert_element_type3A_45, %cond3A_46 : i32
    scf.if %cond3A_47 {
      "tpu.region"() ({
        %run_scoped3A_48 = tpu.sem_alloc : memref<!tpu.dma_semaphore, #tpu.memory_space<semaphore_mem>>
        %dma_start3A_49 = arith.constant 9360 : i32
        %dma_start3A_50 = arith.constant 0 : i32
        %dma_start3A_51 = tpu.memref_slice %arg6[%arg0, %dma_start3A_49, %dma_start3A_50] : memref<2x10000x128xf32, #tpu.memory_space<hbm>> -> memref<1x640x128xf32, #tpu.memory_space<hbm>>
        %dma_start3A_52 = tpu.memref_squeeze %dma_start3A_51 : memref<1x640x128xf32, #tpu.memory_space<hbm>> -> memref<640x128xf32, #tpu.memory_space<hbm>>
        %dma_start3A_53 = arith.constant 9360 : i32
        %dma_start3A_54 = arith.constant 0 : i32
        %dma_start3A_55 = tpu.memref_slice %arg11[%dma_start3A_53, %dma_start3A_54] : memref<10008x128xf32, #tpu.memory_space<vmem_shared>> -> memref<640x128xf32, #tpu.memory_space<vmem_shared>>
        tpu.enqueue_dma source(%dma_start3A_55 : memref<640x128xf32, #tpu.memory_space<vmem_shared>>) target(%dma_start3A_52 : memref<640x128xf32, #tpu.memory_space<hbm>>) target_semaphore(%run_scoped3A_48 : memref<!tpu.dma_semaphore, #tpu.memory_space<semaphore_mem>>)
        %dma_wait3A_56 = arith.constant 9360 : i32
        %dma_wait3A_57 = arith.constant 0 : i32
        %dma_wait3A_58 = tpu.memref_slice %arg6[%arg0, %dma_wait3A_56, %dma_wait3A_57] : memref<2x10000x128xf32, #tpu.memory_space<hbm>> -> memref<1x640x128xf32, #tpu.memory_space<hbm>>
        %dma_wait3A_59 = tpu.memref_squeeze %dma_wait3A_58 : memref<1x640x128xf32, #tpu.memory_space<hbm>> -> memref<640x128xf32, #tpu.memory_space<hbm>>
        %dma_wait3A_60 = arith.constant 9360 : i32
        %dma_wait3A_61 = arith.constant 0 : i32
        %dma_wait3A_62 = tpu.memref_slice %arg11[%dma_wait3A_60, %dma_wait3A_61] : memref<10008x128xf32, #tpu.memory_space<vmem_shared>> -> memref<640x128xf32, #tpu.memory_space<vmem_shared>>
        tpu.wait_dma2 semaphore(%run_scoped3A_48 : memref<!tpu.dma_semaphore, #tpu.memory_space<semaphore_mem>>) src(%dma_wait3A_62 : memref<640x128xf32, #tpu.memory_space<vmem_shared>>) dst(%dma_wait3A_59 : memref<640x128xf32, #tpu.memory_space<hbm>>)
        tpu.yield
      }) : () -> ()
    } else {
    }
    return
  }
}

module attributes {stable_mosaic.version = 14 : i64} {
  func.func @_b_body(%arg0: i32, %arg1: memref<2x400x128xf32, #tpu.memory_space<vmem>>, %arg2: memref<400x128xf32, #tpu.memory_space<vmem>>, %arg3: memref<128x128xf32, #tpu.memory_space<vmem>>, %arg4: memref<400x128xf32, #tpu.memory_space<vmem>>) attributes {dimension_semantics = [#tpu.dimension_semantics<arbitrary>], iteration_bounds = array<i64: 25>, scalar_prefetch = 0 : i64, scratch_operands = 0 : i64, tpu.core_type = #tpu.core_type<tc>, window_params = [{transform_indices = @transform_0, window_bounds = array<i64: 2, 400, 128>}, {transform_indices = @transform_1, window_bounds = array<i64: 400, 128>}, {pipeline_mode = #tpu.pipeline_mode<synchronous>, transform_indices = @transform_2, window_bounds = array<i64: 128, 128>}, {transform_indices = @transform_3, window_bounds = array<i64: 400, 128>}]} {
    %get3A = arith.constant 0 : index
    %get3A_0 = arith.constant 0 : index
    %get3A_1 = arith.constant 0 : index
    %get3A_2 = vector.load %arg1[%get3A, %get3A_0, %get3A_1] : memref<2x400x128xf32, #tpu.memory_space<vmem>>, vector<1x400x128xf32>
    %get3A_3 = vector.shape_cast %get3A_2 : vector<1x400x128xf32> to vector<400x128xf32>
    %slice3A = vector.extract_strided_slice %get3A_3 {offsets = [0, 0], sizes = [400, 1], strides = [1, 1]} : vector<400x128xf32> to vector<400x1xf32>
    %get3A_4 = arith.constant 1 : index
    %get3A_5 = arith.constant 0 : index
    %get3A_6 = arith.constant 0 : index
    %get3A_7 = vector.load %arg1[%get3A_4, %get3A_5, %get3A_6] : memref<2x400x128xf32, #tpu.memory_space<vmem>>, vector<1x400x128xf32>
    %get3A_8 = vector.shape_cast %get3A_7 : vector<1x400x128xf32> to vector<400x128xf32>
    %slice3A_9 = vector.extract_strided_slice %get3A_8 {offsets = [0, 0], sizes = [400, 1], strides = [1, 1]} : vector<400x128xf32> to vector<400x1xf32>
    %add3A = arith.addf %slice3A, %slice3A_9 : vector<400x1xf32>
    %gt3A = arith.constant 0.000000e+00 : f32
    %gt3A_10 = vector.broadcast %gt3A : f32 to vector<400x1xf32>
    %gt3A_11 = arith.cmpf ogt, %add3A, %gt3A_10 : vector<400x1xf32>
    %max3A = arith.constant 1.000000e+00 : f32
    %max3A_12 = vector.broadcast %max3A : f32 to vector<400x1xf32>
    %max3A_13 = arith.maximumf %add3A, %max3A_12 : vector<400x1xf32>
    %rsqrt3A = math.rsqrt %max3A_13 : vector<400x1xf32>
    %jit3A = arith.constant 0.000000e+00 : f32
    %broadcast_in_dim3A = vector.broadcast %jit3A : f32 to vector<400x1xf32>
    %select_n3A = arith.select %gt3A_11, %rsqrt3A, %broadcast_in_dim3A : vector<400x1xi1>, vector<400x1xf32>
    %get3A_14 = arith.constant 0 : index
    %get3A_15 = arith.constant 0 : index
    %get3A_16 = vector.load %arg2[%get3A_14, %get3A_15] : memref<400x128xf32, #tpu.memory_space<vmem>>, vector<400x128xf32>
    %mul3A = vector.broadcast %select_n3A : vector<400x1xf32> to vector<400x128xf32>
    %mul3A_17 = arith.mulf %get3A_16, %mul3A : vector<400x128xf32>
    %get3A_18 = arith.constant 0 : index
    %get3A_19 = arith.constant 0 : index
    %get3A_20 = vector.load %arg3[%get3A_18, %get3A_19] : memref<128x128xf32, #tpu.memory_space<vmem>>, vector<128x128xf32>
    %dot_general3A = arith.constant dense<0.000000e+00> : vector<400x128xf32>
    %dot_general3A_21 = tpu.matmul %mul3A_17, %get3A_20, %dot_general3A {dimension_numbers = #tpu.dot_dimension_numbers<[1], [0], [0], [1], [0, 0, 1, 1], [], []>, transpose_lhs_hint = false} : vector<400x128xf32>, vector<128x128xf32>, vector<400x128xf32> -> vector<400x128xf32>
    %iota3A = tpu.iota {dimensions = array<i32: 1>} : vector<400x128xi32>
    %eq3A = arith.constant 64 : i32
    %eq3A_22 = vector.broadcast %eq3A : i32 to vector<400x128xi32>
    %eq3A_23 = arith.cmpi eq, %iota3A, %eq3A_22 : vector<400x128xi32>
    %jit3A_24 = arith.constant 1.000000e+00 : f32
    %jit3A_25 = arith.constant 0.000000e+00 : f32
    %broadcast_in_dim3A_26 = vector.broadcast %jit3A_24 : f32 to vector<400x128xf32>
    %broadcast_in_dim3A_27 = vector.broadcast %jit3A_25 : f32 to vector<400x128xf32>
    %select_n3A_28 = arith.select %eq3A_23, %broadcast_in_dim3A_26, %broadcast_in_dim3A_27 : vector<400x128xi1>, vector<400x128xf32>
    %add3A_29 = arith.addf %dot_general3A_21, %select_n3A_28 : vector<400x128xf32>
    %swap3A = arith.constant 0 : index
    %swap3A_30 = arith.constant 0 : index
    %swap3A_31 = vector.load %arg4[%swap3A, %swap3A_30] : memref<400x128xf32, #tpu.memory_space<vmem>>, vector<400x128xf32>
    tpu.vector_store %arg4[%swap3A, %swap3A_30], %add3A_29 {strides = array<i32>} : memref<400x128xf32, #tpu.memory_space<vmem>>, vector<400x128xf32>,
    return
  }
  func.func @transform_0(%arg0: i32) -> (i32, i32, i32) {
    %c0_i32 = arith.constant 0 : i32
    %c0_i32_0 = arith.constant 0 : i32
    %c0_i32_1 = arith.constant 0 : i32
    return %c0_i32, %arg0, %c0_i32_0 : i32, i32, i32
  }
  func.func @transform_1(%arg0: i32) -> (i32, i32) {
    %c0_i32 = arith.constant 0 : i32
    %c0_i32_0 = arith.constant 0 : i32
    return %arg0, %c0_i32 : i32, i32
  }
  func.func @transform_2(%arg0: i32) -> (i32, i32) {
    %c0_i32 = arith.constant 0 : i32
    %c0_i32_0 = arith.constant 0 : i32
    %c0_i32_1 = arith.constant 0 : i32
    return %c0_i32, %c0_i32_0 : i32, i32
  }
  func.func @transform_3(%arg0: i32) -> (i32, i32) {
    %c0_i32 = arith.constant 0 : i32
    %c0_i32_0 = arith.constant 0 : i32
    return %arg0, %c0_i32 : i32, i32
  }
}

module attributes {stable_mosaic.version = 14 : i64} {
  func.func @_d_body(%arg0: i32, %arg1: memref<2x400x128xf32, #tpu.memory_space<vmem>>, %arg2: memref<2x400x128xf32, #tpu.memory_space<vmem>>, %arg3: memref<1x64xf32, #tpu.memory_space<vmem>>, %arg4: memref<64x128xf32, #tpu.memory_space<vmem>>, %arg5: memref<400x128xf32, #tpu.memory_space<vmem>>) attributes {dimension_semantics = [#tpu.dimension_semantics<arbitrary>], iteration_bounds = array<i64: 25>, scalar_prefetch = 0 : i64, scratch_operands = 0 : i64, tpu.core_type = #tpu.core_type<tc>, window_params = [{transform_indices = @transform_0, window_bounds = array<i64: 2, 400, 128>}, {transform_indices = @transform_1, window_bounds = array<i64: 2, 400, 128>}, {pipeline_mode = #tpu.pipeline_mode<synchronous>, transform_indices = @transform_2, window_bounds = array<i64: 1, 64>}, {pipeline_mode = #tpu.pipeline_mode<synchronous>, transform_indices = @transform_3, window_bounds = array<i64: 64, 128>}, {transform_indices = @transform_4, window_bounds = array<i64: 400, 128>}]} {
    %get3A = arith.constant 0 : index
    %get3A_0 = arith.constant 0 : index
    %get3A_1 = arith.constant 0 : index
    %get3A_2 = vector.load %arg2[%get3A, %get3A_0, %get3A_1] : memref<2x400x128xf32, #tpu.memory_space<vmem>>, vector<1x400x128xf32>
    %get3A_3 = vector.shape_cast %get3A_2 : vector<1x400x128xf32> to vector<400x128xf32>
    %slice3A = vector.extract_strided_slice %get3A_3 {offsets = [0, 0], sizes = [400, 1], strides = [1, 1]} : vector<400x128xf32> to vector<400x1xf32>
    %get3A_4 = arith.constant 1 : index
    %get3A_5 = arith.constant 0 : index
    %get3A_6 = arith.constant 0 : index
    %get3A_7 = vector.load %arg2[%get3A_4, %get3A_5, %get3A_6] : memref<2x400x128xf32, #tpu.memory_space<vmem>>, vector<1x400x128xf32>
    %get3A_8 = vector.shape_cast %get3A_7 : vector<1x400x128xf32> to vector<400x128xf32>
    %slice3A_9 = vector.extract_strided_slice %get3A_8 {offsets = [0, 0], sizes = [400, 1], strides = [1, 1]} : vector<400x128xf32> to vector<400x1xf32>
    %add3A = arith.addf %slice3A, %slice3A_9 : vector<400x1xf32>
    %gt3A = arith.constant 0.000000e+00 : f32
    %gt3A_10 = vector.broadcast %gt3A : f32 to vector<400x1xf32>
    %gt3A_11 = arith.cmpf ogt, %add3A, %gt3A_10 : vector<400x1xf32>
    %max3A = arith.constant 1.000000e+00 : f32
    %max3A_12 = vector.broadcast %max3A : f32 to vector<400x1xf32>
    %max3A_13 = arith.maximumf %add3A, %max3A_12 : vector<400x1xf32>
    %rsqrt3A = math.rsqrt %max3A_13 : vector<400x1xf32>
    %jit3A = arith.constant 0.000000e+00 : f32
    %broadcast_in_dim3A = vector.broadcast %jit3A : f32 to vector<400x1xf32>
    %select_n3A = arith.select %gt3A_11, %rsqrt3A, %broadcast_in_dim3A : vector<400x1xi1>, vector<400x1xf32>
    %get3A_14 = arith.constant 0 : index
    %get3A_15 = arith.constant 0 : index
    %get3A_16 = arith.constant 0 : index
    %get3A_17 = vector.load %arg1[%get3A_14, %get3A_15, %get3A_16] : memref<2x400x128xf32, #tpu.memory_space<vmem>>, vector<1x400x128xf32>
    %get3A_18 = vector.shape_cast %get3A_17 : vector<1x400x128xf32> to vector<400x128xf32>
    %slice3A_19 = vector.extract_strided_slice %get3A_18 {offsets = [0, 64], sizes = [400, 1], strides = [1, 1]} : vector<400x128xf32> to vector<400x1xf32>
    %get3A_20 = arith.constant 1 : index
    %get3A_21 = arith.constant 0 : index
    %get3A_22 = arith.constant 0 : index
    %get3A_23 = vector.load %arg1[%get3A_20, %get3A_21, %get3A_22] : memref<2x400x128xf32, #tpu.memory_space<vmem>>, vector<1x400x128xf32>
    %get3A_24 = vector.shape_cast %get3A_23 : vector<1x400x128xf32> to vector<400x128xf32>
    %slice3A_25 = vector.extract_strided_slice %get3A_24 {offsets = [0, 64], sizes = [400, 1], strides = [1, 1]} : vector<400x128xf32> to vector<400x1xf32>
    %add3A_26 = arith.addf %slice3A_19, %slice3A_25 : vector<400x1xf32>
    %gt3A_27 = arith.constant 0.000000e+00 : f32
    %gt3A_28 = vector.broadcast %gt3A_27 : f32 to vector<400x1xf32>
    %gt3A_29 = arith.cmpf ogt, %add3A_26, %gt3A_28 : vector<400x1xf32>
    %max3A_30 = arith.constant 1.000000e+00 : f32
    %max3A_31 = vector.broadcast %max3A_30 : f32 to vector<400x1xf32>
    %max3A_32 = arith.maximumf %add3A_26, %max3A_31 : vector<400x1xf32>
    %rsqrt3A_33 = math.rsqrt %max3A_32 : vector<400x1xf32>
    %jit3A_34 = arith.constant 0.000000e+00 : f32
    %broadcast_in_dim3A_35 = vector.broadcast %jit3A_34 : f32 to vector<400x1xf32>
    %select_n3A_36 = arith.select %gt3A_29, %rsqrt3A_33, %broadcast_in_dim3A_35 : vector<400x1xi1>, vector<400x1xf32>
    %get3A_37 = arith.constant 0 : index
    %get3A_38 = arith.constant 0 : index
    %get3A_39 = arith.constant 0 : index
    %get3A_40 = vector.load %arg1[%get3A_37, %get3A_38, %get3A_39] : memref<2x400x128xf32, #tpu.memory_space<vmem>>, vector<1x400x128xf32>
    %get3A_41 = vector.shape_cast %get3A_40 : vector<1x400x128xf32> to vector<400x128xf32>
    %slice3A_42 = vector.extract_strided_slice %get3A_41 {offsets = [0, 0], sizes = [400, 64], strides = [1, 1]} : vector<400x128xf32> to vector<400x64xf32>
    %get3A_43 = arith.constant 1 : index
    %get3A_44 = arith.constant 0 : index
    %get3A_45 = arith.constant 0 : index
    %get3A_46 = vector.load %arg1[%get3A_43, %get3A_44, %get3A_45] : memref<2x400x128xf32, #tpu.memory_space<vmem>>, vector<1x400x128xf32>
    %get3A_47 = vector.shape_cast %get3A_46 : vector<1x400x128xf32> to vector<400x128xf32>
    %slice3A_48 = vector.extract_strided_slice %get3A_47 {offsets = [0, 0], sizes = [400, 64], strides = [1, 1]} : vector<400x128xf32> to vector<400x64xf32>
    %add3A_49 = arith.addf %slice3A_42, %slice3A_48 : vector<400x64xf32>
    %mul3A = vector.broadcast %select_n3A_36 : vector<400x1xf32> to vector<400x64xf32>
    %mul3A_50 = arith.mulf %add3A_49, %mul3A : vector<400x64xf32>
    %get3A_51 = arith.constant 0 : index
    %get3A_52 = arith.constant 0 : index
    %get3A_53 = vector.load %arg3[%get3A_51, %get3A_52] : memref<1x64xf32, #tpu.memory_space<vmem>>, vector<1x64xf32>
    %add3A_54 = vector.broadcast %get3A_53 : vector<1x64xf32> to vector<400x64xf32>
    %add3A_55 = arith.addf %mul3A_50, %add3A_54 : vector<400x64xf32>
    %max3A_56 = arith.constant 0.000000e+00 : f32
    %max3A_57 = vector.broadcast %max3A_56 : f32 to vector<400x64xf32>
    %max3A_58 = arith.maximumf %add3A_55, %max3A_57 : vector<400x64xf32>
    %mul3A_59 = vector.broadcast %select_n3A : vector<400x1xf32> to vector<400x64xf32>
    %mul3A_60 = arith.mulf %max3A_58, %mul3A_59 : vector<400x64xf32>
    %get3A_61 = arith.constant 0 : index
    %get3A_62 = arith.constant 0 : index
    %get3A_63 = vector.load %arg4[%get3A_61, %get3A_62] : memref<64x128xf32, #tpu.memory_space<vmem>>, vector<64x128xf32>
    %dot_general3A = arith.constant dense<0.000000e+00> : vector<400x128xf32>
    %dot_general3A_64 = tpu.matmul %mul3A_60, %get3A_63, %dot_general3A {dimension_numbers = #tpu.dot_dimension_numbers<[1], [0], [0], [1], [0, 0, 1, 1], [], []>, transpose_lhs_hint = false} : vector<400x64xf32>, vector<64x128xf32>, vector<400x128xf32> -> vector<400x128xf32>
    %iota3A = tpu.iota {dimensions = array<i32: 1>} : vector<400x128xi32>
    %eq3A = arith.constant 64 : i32
    %eq3A_65 = vector.broadcast %eq3A : i32 to vector<400x128xi32>
    %eq3A_66 = arith.cmpi eq, %iota3A, %eq3A_65 : vector<400x128xi32>
    %jit3A_67 = arith.constant 1.000000e+00 : f32
    %jit3A_68 = arith.constant 0.000000e+00 : f32
    %broadcast_in_dim3A_69 = vector.broadcast %jit3A_67 : f32 to vector<400x128xf32>
    %broadcast_in_dim3A_70 = vector.broadcast %jit3A_68 : f32 to vector<400x128xf32>
    %select_n3A_71 = arith.select %eq3A_66, %broadcast_in_dim3A_69, %broadcast_in_dim3A_70 : vector<400x128xi1>, vector<400x128xf32>
    %add3A_72 = arith.addf %dot_general3A_64, %select_n3A_71 : vector<400x128xf32>
    %swap3A = arith.constant 0 : index
    %swap3A_73 = arith.constant 0 : index
    %swap3A_74 = vector.load %arg5[%swap3A, %swap3A_73] : memref<400x128xf32, #tpu.memory_space<vmem>>, vector<400x128xf32>
    tpu.vector_store %arg5[%swap3A, %swap3A_73], %add3A_72 {strides = array<i32>} : memref<400x128xf32, #tpu.memory_space<vmem>>, vector<400x128xf32>,
    return
  }
  func.func @transform_0(%arg0: i32) -> (i32, i32, i32) {
    %c0_i32 = arith.constant 0 : i32
    %c0_i32_0 = arith.constant 0 : i32
    %c0_i32_1 = arith.constant 0 : i32
    return %c0_i32, %arg0, %c0_i32_0 : i32, i32, i32
  }
  func.func @transform_1(%arg0: i32) -> (i32, i32, i32) {
    %c0_i32 = arith.constant 0 : i32
    %c0_i32_0 = arith.constant 0 : i32
    %c0_i32_1 = arith.constant 0 : i32
    return %c0_i32, %arg0, %c0_i32_0 : i32, i32, i32
  }
  func.func @transform_2(%arg0: i32) -> (i32, i32) {
    %c0_i32 = arith.constant 0 : i32
    %c0_i32_0 = arith.constant 0 : i32
    %c0_i32_1 = arith.constant 0 : i32
    return %c0_i32, %c0_i32_0 : i32, i32
  }
  func.func @transform_3(%arg0: i32) -> (i32, i32) {
    %c0_i32 = arith.constant 0 : i32
    %c0_i32_0 = arith.constant 0 : i32
    %c0_i32_1 = arith.constant 0 : i32
    return %c0_i32, %c0_i32_0 : i32, i32
  }
  func.func @transform_4(%arg0: i32) -> (i32, i32) {
    %c0_i32 = arith.constant 0 : i32
    %c0_i32_0 = arith.constant 0 : i32
    return %arg0, %c0_i32 : i32, i32
  }
}

module attributes {stable_mosaic.version = 14 : i64} {
  func.func @_f_body(%arg0: i32, %arg1: memref<2x400x128xf32, #tpu.memory_space<vmem>>, %arg2: memref<1x64xf32, #tpu.memory_space<vmem>>, %arg3: memref<64x64xf32, #tpu.memory_space<vmem>>, %arg4: memref<1x64xf32, #tpu.memory_space<vmem>>, %arg5: memref<64x1xf32, #tpu.memory_space<vmem>>, %arg6: memref<1x1xf32, #tpu.memory_space<vmem>>, %arg7: memref<400x1xf32, #tpu.memory_space<vmem>>) attributes {dimension_semantics = [#tpu.dimension_semantics<arbitrary>], iteration_bounds = array<i64: 25>, scalar_prefetch = 0 : i64, scratch_operands = 0 : i64, tpu.core_type = #tpu.core_type<tc>, window_params = [{transform_indices = @transform_0, window_bounds = array<i64: 2, 400, 128>}, {pipeline_mode = #tpu.pipeline_mode<synchronous>, transform_indices = @transform_1, window_bounds = array<i64: 1, 64>}, {pipeline_mode = #tpu.pipeline_mode<synchronous>, transform_indices = @transform_2, window_bounds = array<i64: 64, 64>}, {pipeline_mode = #tpu.pipeline_mode<synchronous>, transform_indices = @transform_3, window_bounds = array<i64: 1, 64>}, {pipeline_mode = #tpu.pipeline_mode<synchronous>, transform_indices = @transform_4, window_bounds = array<i64: 64, 1>}, {pipeline_mode = #tpu.pipeline_mode<synchronous>, transform_indices = @transform_5, window_bounds = array<i64: 1, 1>}, {transform_indices = @transform_6, window_bounds = array<i64: 400, 1>}]} {
    %get3A = arith.constant 0 : index
    %get3A_0 = arith.constant 0 : index
    %get3A_1 = arith.constant 0 : index
    %get3A_2 = vector.load %arg1[%get3A, %get3A_0, %get3A_1] : memref<2x400x128xf32, #tpu.memory_space<vmem>>, vector<1x400x128xf32>
    %get3A_3 = vector.shape_cast %get3A_2 : vector<1x400x128xf32> to vector<400x128xf32>
    %slice3A = vector.extract_strided_slice %get3A_3 {offsets = [0, 64], sizes = [400, 1], strides = [1, 1]} : vector<400x128xf32> to vector<400x1xf32>
    %get3A_4 = arith.constant 1 : index
    %get3A_5 = arith.constant 0 : index
    %get3A_6 = arith.constant 0 : index
    %get3A_7 = vector.load %arg1[%get3A_4, %get3A_5, %get3A_6] : memref<2x400x128xf32, #tpu.memory_space<vmem>>, vector<1x400x128xf32>
    %get3A_8 = vector.shape_cast %get3A_7 : vector<1x400x128xf32> to vector<400x128xf32>
    %slice3A_9 = vector.extract_strided_slice %get3A_8 {offsets = [0, 64], sizes = [400, 1], strides = [1, 1]} : vector<400x128xf32> to vector<400x1xf32>
    %add3A = arith.addf %slice3A, %slice3A_9 : vector<400x1xf32>
    %gt3A = arith.constant 0.000000e+00 : f32
    %gt3A_10 = vector.broadcast %gt3A : f32 to vector<400x1xf32>
    %gt3A_11 = arith.cmpf ogt, %add3A, %gt3A_10 : vector<400x1xf32>
    %max3A = arith.constant 1.000000e+00 : f32
    %max3A_12 = vector.broadcast %max3A : f32 to vector<400x1xf32>
    %max3A_13 = arith.maximumf %add3A, %max3A_12 : vector<400x1xf32>
    %rsqrt3A = math.rsqrt %max3A_13 : vector<400x1xf32>
    %jit3A = arith.constant 0.000000e+00 : f32
    %broadcast_in_dim3A = vector.broadcast %jit3A : f32 to vector<400x1xf32>
    %select_n3A = arith.select %gt3A_11, %rsqrt3A, %broadcast_in_dim3A : vector<400x1xi1>, vector<400x1xf32>
    %get3A_14 = arith.constant 0 : index
    %get3A_15 = arith.constant 0 : index
    %get3A_16 = arith.constant 0 : index
    %get3A_17 = vector.load %arg1[%get3A_14, %get3A_15, %get3A_16] : memref<2x400x128xf32, #tpu.memory_space<vmem>>, vector<1x400x128xf32>
    %get3A_18 = vector.shape_cast %get3A_17 : vector<1x400x128xf32> to vector<400x128xf32>
    %slice3A_19 = vector.extract_strided_slice %get3A_18 {offsets = [0, 0], sizes = [400, 64], strides = [1, 1]} : vector<400x128xf32> to vector<400x64xf32>
    %get3A_20 = arith.constant 1 : index
    %get3A_21 = arith.constant 0 : index
    %get3A_22 = arith.constant 0 : index
    %get3A_23 = vector.load %arg1[%get3A_20, %get3A_21, %get3A_22] : memref<2x400x128xf32, #tpu.memory_space<vmem>>, vector<1x400x128xf32>
    %get3A_24 = vector.shape_cast %get3A_23 : vector<1x400x128xf32> to vector<400x128xf32>
    %slice3A_25 = vector.extract_strided_slice %get3A_24 {offsets = [0, 0], sizes = [400, 64], strides = [1, 1]} : vector<400x128xf32> to vector<400x64xf32>
    %add3A_26 = arith.addf %slice3A_19, %slice3A_25 : vector<400x64xf32>
    %mul3A = vector.broadcast %select_n3A : vector<400x1xf32> to vector<400x64xf32>
    %mul3A_27 = arith.mulf %add3A_26, %mul3A : vector<400x64xf32>
    %get3A_28 = arith.constant 0 : index
    %get3A_29 = arith.constant 0 : index
    %get3A_30 = vector.load %arg2[%get3A_28, %get3A_29] : memref<1x64xf32, #tpu.memory_space<vmem>>, vector<1x64xf32>
    %add3A_31 = vector.broadcast %get3A_30 : vector<1x64xf32> to vector<400x64xf32>
    %add3A_32 = arith.addf %mul3A_27, %add3A_31 : vector<400x64xf32>
    %get3A_33 = arith.constant 0 : index
    %get3A_34 = arith.constant 0 : index
    %get3A_35 = vector.load %arg3[%get3A_33, %get3A_34] : memref<64x64xf32, #tpu.memory_space<vmem>>, vector<64x64xf32>
    %dot_general3A = arith.constant dense<0.000000e+00> : vector<400x64xf32>
    %dot_general3A_36 = tpu.matmul %add3A_32, %get3A_35, %dot_general3A {dimension_numbers = #tpu.dot_dimension_numbers<[1], [0], [0], [1], [0, 0, 1, 1], [], []>, transpose_lhs_hint = false} : vector<400x64xf32>, vector<64x64xf32>, vector<400x64xf32> -> vector<400x64xf32>
    %get3A_37 = arith.constant 0 : index
    %get3A_38 = arith.constant 0 : index
    %get3A_39 = vector.load %arg4[%get3A_37, %get3A_38] : memref<1x64xf32, #tpu.memory_space<vmem>>, vector<1x64xf32>
    %add3A_40 = vector.broadcast %get3A_39 : vector<1x64xf32> to vector<400x64xf32>
    %add3A_41 = arith.addf %dot_general3A_36, %add3A_40 : vector<400x64xf32>
    %max3A_42 = arith.constant 0.000000e+00 : f32
    %max3A_43 = vector.broadcast %max3A_42 : f32 to vector<400x64xf32>
    %max3A_44 = arith.maximumf %add3A_41, %max3A_43 : vector<400x64xf32>
    %get3A_45 = arith.constant 0 : index
    %get3A_46 = arith.constant 0 : index
    %get3A_47 = vector.load %arg5[%get3A_45, %get3A_46] : memref<64x1xf32, #tpu.memory_space<vmem>>, vector<64x1xf32>
    %dot_general3A_48 = arith.constant dense<0.000000e+00> : vector<400x1xf32>
    %dot_general3A_49 = tpu.matmul %max3A_44, %get3A_47, %dot_general3A_48 {dimension_numbers = #tpu.dot_dimension_numbers<[1], [0], [0], [1], [0, 0, 1, 1], [], []>, transpose_lhs_hint = false} : vector<400x64xf32>, vector<64x1xf32>, vector<400x1xf32> -> vector<400x1xf32>
    %get3A_50 = arith.constant 0 : index
    %get3A_51 = arith.constant 0 : index
    %get3A_52 = vector.load %arg6[%get3A_50, %get3A_51] : memref<1x1xf32, #tpu.memory_space<vmem>>, vector<1x1xf32>
    %add3A_53 = vector.broadcast %get3A_52 : vector<1x1xf32> to vector<400x1xf32>
    %add3A_54 = arith.addf %dot_general3A_49, %add3A_53 : vector<400x1xf32>
    %swap3A = arith.constant 0 : index
    %swap3A_55 = arith.constant 0 : index
    %swap3A_56 = vector.load %arg7[%swap3A, %swap3A_55] : memref<400x1xf32, #tpu.memory_space<vmem>>, vector<400x1xf32>
    tpu.vector_store %arg7[%swap3A, %swap3A_55], %add3A_54 {strides = array<i32>} : memref<400x1xf32, #tpu.memory_space<vmem>>, vector<400x1xf32>,
    return
  }
  func.func @transform_0(%arg0: i32) -> (i32, i32, i32) {
    %c0_i32 = arith.constant 0 : i32
    %c0_i32_0 = arith.constant 0 : i32
    %c0_i32_1 = arith.constant 0 : i32
    return %c0_i32, %arg0, %c0_i32_0 : i32, i32, i32
  }
  func.func @transform_1(%arg0: i32) -> (i32, i32) {
    %c0_i32 = arith.constant 0 : i32
    %c0_i32_0 = arith.constant 0 : i32
    %c0_i32_1 = arith.constant 0 : i32
    return %c0_i32, %c0_i32_0 : i32, i32
  }
  func.func @transform_2(%arg0: i32) -> (i32, i32) {
    %c0_i32 = arith.constant 0 : i32
    %c0_i32_0 = arith.constant 0 : i32
    %c0_i32_1 = arith.constant 0 : i32
    return %c0_i32, %c0_i32_0 : i32, i32
  }
  func.func @transform_3(%arg0: i32) -> (i32, i32) {
    %c0_i32 = arith.constant 0 : i32
    %c0_i32_0 = arith.constant 0 : i32
    %c0_i32_1 = arith.constant 0 : i32
    return %c0_i32, %c0_i32_0 : i32, i32
  }
  func.func @transform_4(%arg0: i32) -> (i32, i32) {
    %c0_i32 = arith.constant 0 : i32
    %c0_i32_0 = arith.constant 0 : i32
    %c0_i32_1 = arith.constant 0 : i32
    return %c0_i32, %c0_i32_0 : i32, i32
  }
  func.func @transform_5(%arg0: i32) -> (i32, i32) {
    %c0_i32 = arith.constant 0 : i32
    %c0_i32_0 = arith.constant 0 : i32
    %c0_i32_1 = arith.constant 0 : i32
    return %c0_i32, %c0_i32_0 : i32, i32
  }
  func.func @transform_6(%arg0: i32) -> (i32, i32) {
    %c0_i32 = arith.constant 0 : i32
    %c0_i32_0 = arith.constant 0 : i32
    return %arg0, %c0_i32 : i32, i32
  }
}

</mosaic_0001>

<sc_bundles>
// kernel: kernel.11.cloned.1.call-start
scs
__scs_entry_jumppad:
0x0: {  	(pc) =	sbr.rel $0x88, $3  }
0x1: {  	(tag) =	ssettag $0x0;
	lr =	simm.s32 $0x1  }
0x2: {  	[smem:$0x3F97] =	sst lr;
	_ =	strace $0xD0000000  }
0x3: {  	_ = 	snop  }
0x4: {  	_ = 	snop  }
0x5: {  	_ = 	snop  }
0x6: {  	_ = 	snop  }
0x7: {  	_ = 	snop  }
__scs_overlays_trampoline_lowered:
0x8: {  	[smem:$0x3FA6] =	sst s0  }
0x9: {  	[smem:$0x3FA7] =	sst s1  }
0xa: {  	[smem:$0x3FA8] =	sst s2  }
0xb: {  	[smem:$0x3FA9] =	sst s3  }
0xc: {  	[smem:$0x3FAA] =	sst s4  }
0xd: {  	[smem:$0x3FAB] =	sst s5  }
0xe: {  	[smem:$0x3FAC] =	sst s6  }
0xf: {  	[smem:$0x3FAD] =	sst s7  }
0x10: {  	[smem:$0x3FAE] =	sst s8  }
0x11: {  	[smem:$0x3FAF] =	sst s9;
	s0 =	simm.s32 @!p0 $0x0  }
0x12: {  	s1 =	sld [smem:$0x3F95];
	s0 =	simm.s32 @p0 $0x1  }
0x13: {  	[smem:$0x3FB0] =	sst s0;
	s0 =	simm.s32 @!p1 $0x0  }
0x14: {  	s2 =	sld [smem:$0x3F94];
	s0 =	simm.s32 @p1 $0x1  }
0x15: {  	[smem:$0x3FB1] =	sst s0;
	s0 =	simm.s32 @!p2 $0x0  }
0x16: {  	s3 =	sld [smem:$0x3FDB];
	s0 =	simm.s32 @p2 $0x1  }
0x17: {  	s4 =	simm.s32 $0x1BF5;
	[smem:$0x3FB3] =	sst s0  }
0x18: {  	s0 =	sld [smem:$0x3F96];
	_ =	swait.ge [sflag:s4], $0x0  }
0x19: {  	s7 =	sld [smem:$0x3F97]  }
0x1a: {  	s8 =	sadd.s32 $0xFFFFE003, lr  }
0x1b: {  	s9 =	sadd.s32 $0xFFFFFEF7, lr;
	s5 =	simm.s32 $0xFFFFFFFF;
	p2 =	slt.u32 s8, $0xFFFFF086  }
0x1c: {  	p1 =	slt.u32 s9, $0xF7A;
	s5 =	simm.s32 @!p2 $0x0  }
0x1d: {  	s5 =	simm.s32 @p1 $0x1;
	p0 =	seq.s32 s7, s2  }
0x1e: {  	s7 =	smul.u32 @!p0 $0xF7A, s2;
	p2 =	seq.s32 @!p0 s5, $0x0  }
0x1f: {  	s9 =	smul.u32 $0xF7A, s1;
	s8 =	simm.s32 @!p0 $0x1BF5;
	p2 =	por !p2, p0  }
0x20: {  	[sflag:s8] =	ssyncset.s32 @!p0 $0xFFFFF086;
	s6 =	sadd.s32 @!p0 s3, s7;
	s7 =	simm.s32 @!p0 $0x108  }
0x21: {  	s3 =	sadd.s32 s3, s9;
	s6 =	sadd.s32 @!p0 $0x88, s6;
	s7 =	simm.s32 @p2 $0x1082  }
0x22: {  	[simem:s7], [sflag:s8] =	dma.local @!p0 [hbm:s6], $0xF7A  }
0x23: {  	s9 =	sor.u32 $0xD0000000, s2;
	s6 =	simm.s32 $0x108;
	_ =	swait.ge @!p0 [sflag:s8], $0x0  }
0x24: {  	s3 =	sadd.s32 $0x88, s3;
	s6 =	simm.s32 @!p1 $0x1082;
	[sflag:s4] =	ssyncset.s32 $0xFFFFF086  }
0x25: {  	[simem:s6], [sflag:s4] =	dma.local [hbm:s3], $0xF7A  }
0x26: {  	[smem:$0x3F97] =	sst s1;
	(tag) =	ssettag s2;
	_ =	strace s9  }
0x27: {  	s1 =	sld [smem:$0x3FA7]  }
0x28: {  	s2 =	sld [smem:$0x3FA8]  }
0x29: {  	s4 =	sld [smem:$0x3FAA]  }
0x2a: {  	p0 =	seq.s32 s5, $0x0;
	s5 =	sld [smem:$0x3FAB]  }
0x2b: {  	s6 =	sld [smem:$0x3FAC]  }
0x2c: {  	s7 =	sld [smem:$0x3FAD]  }
0x2d: {  	s3 =	simm.s32 $0x108;
	s8 =	sld [smem:$0x3FAE]  }
0x2e: {  	s3 =	simm.s32 @!p0 $0x1082;
	s9 =	sld [smem:$0x3FAF]  }
0x2f: {  	lr =	sadd.s32 s0, s3;
	s0 =	sld [smem:$0x3FA6]  }
0x30: {  	s3 =	sld [smem:$0x3FA9]  }
0x31: {  	[smem:$0x3FB2] =	sst s10  }
0x32: {  	s10 =	sld [smem:$0x3FB0];
	_ =	sdelay $0x3  }
0x33: {  	p0 =	seq.s32 s10, $0x1;
	s10 =	sld [smem:$0x3FB2];
	_ =	sdelay $0x3  }
0x34: {  	[smem:$0x3FB2] =	sst s10  }
0x35: {  	s10 =	sld [smem:$0x3FB1];
	_ =	sdelay $0x3  }
0x36: {  	p1 =	seq.s32 s10, $0x1;
	s10 =	sld [smem:$0x3FB2];
	_ =	sdelay $0x3  }
0x37: {  	[smem:$0x3FB2] =	sst s10  }
0x38: {  	s10 =	sld [smem:$0x3FB3]  }
0x39: {  	_ = 	snop;
	(pc) =	sbr.ind lr, $3  }
0x3a: {  	_ = 	snop  }
0x3b: {  	_ = 	snop  }
0x3c: {  	p2 =	seq.s32 s10, $0x1;
	s10 =	sld [smem:$0x3FB2]  }
0x3d: {  	_ =	shalt  }
0x3e: {  	_ =	shalt  }
0x3f: {  	_ =	shalt  }
0x40: {  	_ =	shalt  }
0x41: {  	_ =	shalt  }
0x42: {  	_ =	shalt  }
0x43: {  	_ =	shalt  }
0x44: {  	_ =	shalt  }
0x45: {  	_ =	shalt  }
0x46: {  	_ =	shalt  }
0x47: {  	_ =	shalt  }
0x48: {  	_ =	shalt  }
0x49: {  	_ =	shalt  }
0x4a: {  	_ =	shalt  }
0x4b: {  	_ =	shalt  }
0x4c: {  	_ =	shalt  }
0x4d: {  	_ =	shalt  }
0x4e: {  	_ =	shalt  }
0x4f: {  	_ =	shalt  }
0x50: {  	_ =	shalt  }
0x51: {  	_ =	shalt  }
0x52: {  	_ =	shalt  }
0x53: {  	_ =	shalt  }
0x54: {  	_ =	shalt  }
0x55: {  	_ =	shalt  }
0x56: {  	_ =	shalt  }
0x57: {  	_ =	shalt  }
0x58: {  	_ =	shalt  }
0x59: {  	_ =	shalt  }
0x5a: {  	_ =	shalt  }
0x5b: {  	_ =	shalt  }
0x5c: {  	_ =	shalt  }
0x5d: {  	_ =	shalt  }
0x5e: {  	_ =	shalt  }
0x5f: {  	_ =	shalt  }
0x60: {  	_ =	shalt  }
0x61: {  	_ =	shalt  }
0x62: {  	_ =	shalt  }
0x63: {  	_ =	shalt  }
0x64: {  	_ =	shalt  }
0x65: {  	_ =	shalt  }
0x66: {  	_ =	shalt  }
0x67: {  	_ =	shalt  }
0x68: {  	_ =	shalt  }
0x69: {  	_ =	shalt  }
0x6a: {  	_ =	shalt  }
0x6b: {  	_ =	shalt  }
0x6c: {  	_ =	shalt  }
0x6d: {  	_ =	shalt  }
0x6e: {  	_ =	shalt  }
0x6f: {  	_ =	shalt  }
0x70: {  	_ =	shalt  }
0x71: {  	_ =	shalt  }
0x72: {  	_ =	shalt  }
0x73: {  	_ =	shalt  }
0x74: {  	_ =	shalt  }
0x75: {  	_ =	shalt  }
0x76: {  	_ =	shalt  }
0x77: {  	_ =	shalt  }
0x78: {  	_ =	shalt  }
0x79: {  	_ =	shalt  }
0x7a: {  	_ =	shalt  }
0x7b: {  	_ =	shalt  }
0x7c: {  	_ =	shalt  }
0x7d: {  	_ =	shalt  }
0x7e: {  	_ =	shalt  }
0x7f: {  	_ =	shalt  }
0x80: {  	_ =	shalt  }
0x81: {  	_ =	shalt  }
0x82: {  	_ =	shalt  }
0x83: {  	_ =	shalt  }
0x84: {  	_ =	shalt  }
0x85: {  	_ =	shalt  }
0x86: {  	_ =	shalt  }
0x87: {  	_ =	shalt  }
.Lfunc_end0:
.L_simem_size_0:
called_computation.1_lowered:
.L_overlay_start_0:
0x88: {  	s2 =	sld [smem:$0x3FD9]  }
0x89: {  	s3 =	sld [smem:$0x3FFE];
	_ =	sdelay $0x1  }
0x8a: {  	s1 =	srdreg.scid  }
0x8b: {  	s0 =	sand.u32 $0x1, s1  }
0x8c: {  	s16 =	sshll.u32 s0, $0xA;
	s2 =	sadd.s32 s3, s2  }
0x8d: {  	s2 =	sadd.s32 s2, s16  }
0x8e: {  	[smem:$0x3FBE] =	sst s2  }
0x8f: {  	_ = 	snop  }
0x90: {  	(tm) =	ssettm $0x1  }
0x91: {  	s17 =	sld [smem:$0x3FFB];
	_ =	sdelay $0x3  }
0x92: {  	_ =	strace s17  }
0x93: {  	s2 =	sld [smem:$0x3FFC];
	_ =	sdelay $0x3  }
0x94: {  	_ =	strace s2  }
0x95: {  	s2 =	sld [smem:$0x3FFD];
	_ =	sdelay $0x3  }
0x96: {  	_ =	strace s2  }
0x97: {  	_ =	strace $0x8FFFFFFF  }
0x98: {  	s18 =	sld [smem:$0x3FDB];
	_ =	sdelay $0x1  }
0x99: {  	s19 =	simm.s32 $_scs_section_size  }
0x9a: {  	s4 =	simm.s32 $_size__tile_overlayer_lowered;
	s5 =	simm.s32 $_tile_overlayer_lowered  }
0x9b: {  	s22 =	simm.s32 $0x1BFF;
	s21 =	sshll.u32 s5, $0x1;
	s2 =	sadd.s32 s19, s18  }
0x9c: {  	s6 =	simm.s32 $0x0;
	s20 =	sshll.u32 s4, $0x1;
	s4 =	sadd.s32 s21, s2  }
0x9d: {  	[timem:s6], [sflag:s22] =	dma.local [hbm:s4], s20  }
0x9e: {  	_ =	swait.ge [sflag:s22], s20  }
0x9f: {  	s3 =	ssub.s32 $0x0, s20;
	[sflag:s22] =	ssyncset.done $0x0  }
0xa0: {  	[sflag:s22] =	ssyncadd.s32 s3;
	_ =	sdelay $0x1  }
0xa1: {  	s23 =	simm.s32 $0x1B8B  }
0xa2: {  	_ =	swait.ge [sflag:s23], $0x1  }
0xa3: {  	[sflag:s23] =	ssyncset.done $0x0  }
0xa4: {  	s25 =	simm.s32 $0x1B8E;
	s24 =	sld [smem:$0x3FFE];
	[sflag:s23] =	ssyncadd.s32 $0xFFFFFFFF  }
0xa5: {  	s26 =	simm.s32 $execute0_lowered;
	[smem:$0x3FD2] =	sst s25  }
0xa6: {  	s4 =	sshll.u32 s26, $0x1;
	_ =	strace $0x80000049;
	[dreg:$0x1] =	wrdreg $0xFFFFFFFF  }
0xa7: {  	s28 =	simm.s32 $_size_execute0_lowered;
	s2 =	sadd.s32 s2, s4;
	[dreg:$0x0] =	wrdreg $0x0  }
0xa8: {  	s4 =	sshll.u32 s28, $0x1;
	[dreg:$0x2] =	wrdreg s2  }
0xa9: {  	[dreg:$0x3] =	wrdreg s4  }
0xaa: {  	[dreg:$0x4] =	wrdreg $0xC0  }
0xab: {  	_ =	task [dreg:s6], $0x5FFFF  }
0xac: {  	[dreg:$0x1] =	wrdreg $0xFFFFFFFF  }
0xad: {  	[dreg:$0x0] =	wrdreg $0x60  }
0xae: {  	[dreg:$0x2] =	wrdreg s24  }
0xaf: {  	[dreg:$0x3] =	wrdreg $0xC3800  }
0xb0: {  	[dreg:$0x4] =	wrdreg $0x9  }
0xb1: {  	_ =	task.clear_ibuf [dreg:s6], $0x5FFFF;
	_ =	strace $0x90000049  }
0xb2: {  	s29 =	simm.s32 $0x9;
	_ =	strace $0x8000004B  }
0xb3: {  	_ =	swait.ge [sflag:s29], $0x1  }
0xb4: {  	[sflag:s29] =	ssyncadd.s32 $0xFFFFFFFF  }
0xb5: {  	_ =	strace $0x9000004B  }
0xb6: {  	_ =	sfence  }
0xb7: {  	s30 =	sld [smem:$0x0];
	_ =	sdelay $0x2  }
0xb8: {  	s31 =	sshll.u32 s1, $0xD;
	s1 =	sshrl.u32 s1, $0x2  }
0xb9: {  	s3 =	sand.u32 $0x4000, s31;
	s1 =	sadd.s32 s1, s30  }
0xba: {  	s0 =	sor.u32 s3, s0;
	s1 =	sshll.u32 s1, $0x11  }
0xbb: {  	s0 =	sor.u32 s1, s0  }
0xbc: {  	s0 =	sadd.s32 $0x8F2B, s0  }
0xbd: {  	[sflag:s0] =	ssyncadd.remote.s32 $0x1  }
0xbe: {  	_ =	sfence.sel $0xFFFF  }
0xbf: {  	[dreg:$0x0] =	wrdreg $0xFFFFFFFF;
	(pc) =	sbr.abs _section_cstart, $3  }
0xc0: {  	[dreg:$0x1] =	wrdreg $0xFFFFFFFF  }
0xc1: {  	_ =	task.clear_ibuf [dreg:s6], $0x2FFFF;
	_ =	strace $0x9FFFFFFF  }
0xc2: {  	(tm) =	ssettm $0x7FFFFFFF  }
0xc3: {  	_ =	shalt  }
tec
execute0_lowered:
.L_overlay_start_1:
0x0: {  	(tag) =	ssettag $0x1  }
0x1: {  	s7 =	rddreg [dreg:$0x0]  }
0x2: {  	s0 =	srdreg.scid;
	s2 =	rddreg [dreg:$0x1];
	s3 =	simm.s32 $0x0  }
0x3: {  	s18 =	simm.s32 $0x1;
	s19 =	simm.s32 $0x2;
	s20 =	simm.s32 $0x68  }
0x4: {  	s21 =	simm.s32 $0x5B80;
	s22 =	simm.s32 $0x5;
	s23 =	simm.s32 $0x8F80  }
0x5: {  	s28 =	simm.s32 $0x0;
	s6 =	sand.u32 $0x1, s0;
	s0 =	stileid.u32  }
0x6: {  	[smem:$0x7FF] =	sst s3;
	s14 =	sadd.s32 $0x9E000, s7;
	s15 =	sadd.s32 $0x124800, s2  }
0x7: {  	s1 =	sshll.u32 s6, $0x4;
	s24 =	sshll.u32 s0, $0x7;
	s11 =	smul.u32 $0x4E000, s0  }
0x8: {  	_ =	strace $0x8000004A;
	s10 =	ssub.s32 $0x2, s6;
	s13 =	smul.u32 $0x138800, s6  }
0x9: {  	s26 =	smul.u32 $0x13800, s0;
	p0 =	seq.s32 s0, $0xF;
	s4 =	sor.u32 s0, s1  }
0xa: {  	s8 =	sand.u32 $0x380, s24;
	s12 =	sshrl.u32 s10, $0x1;
	s24 =	simm.s32 $0x3  }
0xb: {  	s1 =	sshrl.u32 s4, $0x3;
	s25 =	smul.u32 $0x680, s4;
	s4 =	sadd.s32 $0x76E00, s7  }
0xc: {  	s10 =	ssub.s32 s10, s12;
	s29 =	sshrl.u32 s11, $0x2;
	s30 =	sadd.s32 s26, s13  }
0xd: {  	s31 =	sshrl.u32 s13, $0x3;
	s11 =	simm.s32 $0x80;
	s5 =	smul.u32 $0x13C00, s1  }
0xe: {  	s12 =	simm.s32 $0x400;
	s13 =	simm.s32 $0x2780;
	s26 =	simm.s32 $0x5780  }
0xf: {  	s17 =	sadd.s32 s29, s2;
	s10 =	smax.u32 s10, $0x1;
	s5 =	sor.u32 s8, s5  }
0x10: {  	s17 =	sshrl.u32 @!p0 s17, $0x3;
	s8 =	sadd.s32 s25, s7;
	s5 =	sshrl.u32 s5, $0x3  }
0x11: {  	s9 =	sadd.s32 s5, s7;
	s5 =	sadd.s32 $0xF600, s7;
	s7 =	sadd.s32 $0x69E00, s8  }
0x12: {  	s8 =	sshrl.u32 s30, $0x3;
	s6 =	sadd.s32 $0x60000, s9;
	s9 =	sadd.s32 s14, s31  }
0x13: {  	s8 =	sadd.s32 s14, s8;
	s14 =	sshrl.u32 @p0 s15, $0x3;
	s15 =	sshll.u32 @!p0 s0, $0x6  }
0x14: {  	s25 =	simm.s32 $0x4;
	s9 =	sadd.s32 $0x24900, s9;
	s16 =	sor.u32 @!p0 $0x1C03, s15  }
.LBB2_1:
0x15: {  	[tilespmem:s3], [sflag:$0x1] =	stream.strided.gather [hbm4b:s6+s11], $0x2780, s12, s11, $0x38;
	[tilespmem:$0x1FC40] =	vst v63  }
0x16: {  	s29 =	simm.s32 @p0 $0x1FC3  }
0x17: {  	[tilespmem:s13], [sflag:$0x2] =	stream.linear.gather [hbm4b:s7+s3], $0x3080, $0x38;
	[tilespmem:$0x1FC40] =	vst v63  }
0x18: {  	[spmem:s14], [sflag:s29] =	dma.local @p0 [hbm:s5], $0x2800  }
0x19: {  	s29 =	simm.s32 @p0 $0x3  }
0x1a: {  	_ =	swait.ge @p0 [sflag:s29], $0x2800  }
0x1b: {  	[sflag:s29] =	ssyncset.done @p0 $0x0  }
0x1c: {  	[sflag:s29] =	ssyncadd.s32 @p0 $0xFFFFD800;
	s29 =	simm.s32 @!p0 $0x3  }
0x1d: {  	[spmem:s17], [sflag:s16] =	dma.local @!p0 [hbm:s5], $0x2700  }
0x1e: {  	_ =	swait.ge @!p0 [sflag:s29], $0x2700  }
0x1f: {  	[sflag:s29] =	ssyncset.done @!p0 $0x0  }
0x20: {  	[sflag:s29] =	ssyncadd.s32 @!p0 $0xFFFFD900  }
0x21: {  	_ =	swait.ge [sflag:s18], $0x2780  }
0x22: {  	[sflag:s18] =	ssyncset.done $0x0  }
0x23: {  	[sflag:s18] =	ssyncadd.s32 $0xFFFFD880  }
0x24: {  	_ =	swait.ge [sflag:s19], $0x3080  }
0x25: {  	[sflag:s19] =	ssyncset.done $0x0  }
0x26: {  	[sflag:s19] =	ssyncadd.s32 $0xFFFFCF80  }
0x27: {  	[bflag:$0x0] =	sbarrier.arrive $0xFFFF  }
0x28: {  	[tilespmem:s21], [sflag:$0x5] =	stream.indirect.gather [hbm4b:s4+s20], $0x80, s3, s20, $0xb8;
	[tilespmem:$0x1FC40] =	vst v63  }
0x29: {  	_ =	swait.ge [sflag:s22], $0x3400  }
0x2a: {  	[sflag:s22] =	ssyncset.done $0x0  }
0x2b: {  	s29 =	simm.s32 $0x68;
	[sflag:s22] =	ssyncadd.s32 $0xFFFFCC00  }
0x2c: {  	[tilespmem:s23], [sflag:$0x2] =	stream.indirect.gather [hbm4b:s4+s20], $0x80, s29, s20, $0xb8;
	[tilespmem:$0x1FC40] =	vst v63  }
0x2d: {  	s29 =	simm.s32 $0x2780  }
0x2e: {  	[spmem:s2] =	stream.indirect.scatter.add.f32 [tilespmem:s21], [sflag:$0x3], $0x80, s29, s20, $0xb8;
	[tilespmem:$0x1FC40] =	vst v63  }
0x2f: {  	_ =	swait.ge [sflag:s19], $0x3400  }
0x30: {  	[sflag:s19] =	ssyncset.done $0x0  }
0x31: {  	[sflag:s19] =	ssyncadd.s32 $0xFFFFCC00  }
0x32: {  	_ =	swait.ge [sflag:s24], $0x3400  }
0x33: {  	[sflag:s24] =	ssyncset.done $0x0  }
0x34: {  	s29 =	simm.s32 $0xD0;
	[sflag:s24] =	ssyncadd.s32 $0xFFFFCC00  }
0x35: {  	[tilespmem:s21], [sflag:$0x1] =	stream.indirect.gather [hbm4b:s4+s20], $0x80, s29, s20, $0xb8;
	[tilespmem:$0x1FC40] =	vst v63  }
0x36: {  	s29 =	simm.s32 $0x2800  }
0x37: {  	[spmem:s2] =	stream.indirect.scatter.add.f32 [tilespmem:s23], [sflag:$0x4], $0x80, s29, s20, $0xb8;
	[tilespmem:$0x1FC40] =	vst v63  }
0x38: {  	_ =	swait.ge [sflag:s18], $0x3400  }
0x39: {  	[sflag:s18] =	ssyncset.done $0x0  }
0x3a: {  	[sflag:s18] =	ssyncadd.s32 $0xFFFFCC00  }
0x3b: {  	s30 =	simm.s32 $0x400;
	_ =	swait.ge [sflag:s25], $0x3400  }
0x3c: {  	s31 =	simm.s32 $0x800;
	s29 =	simm.s32 $0x1A0;
	[sflag:s25] =	ssyncset.done $0x0  }
.LBB2_2:
0x3d: {  	s1 =	sadd.s32 $0xFFFFFF98, s29  }
0x3e: {  	s0 =	sshra.s32 s30, $0x2;
	[sflag:s25] =	ssyncadd.s32 $0xFFFFCC00;
	s30 =	smov.u32 s31  }
0x3f: {  	[tilespmem:s23], [sflag:$0x2] =	stream.indirect.gather [hbm4b:s4+s20], $0x80, s1, s20, $0xb8;
	[tilespmem:$0x1FC40] =	vst v63  }
0x40: {  	p1 =	sne.s32 s31, $0xBC00;
	s31 =	sadd.s32 $0x400, s31;
	s1 =	sadd.s32 $0x2780, s0  }
0x41: {  	[spmem:s2] =	stream.indirect.scatter.add.f32 [tilespmem:s21], [sflag:$0x3], $0x80, s1, s20, $0xb8;
	[tilespmem:$0x1FC40] =	vst v63  }
0x42: {  	_ =	swait.ge [sflag:s19], $0x3400  }
0x43: {  	[sflag:s19] =	ssyncset.done $0x0  }
0x44: {  	[sflag:s19] =	ssyncadd.s32 $0xFFFFCC00  }
0x45: {  	_ =	swait.ge [sflag:s24], $0x3400  }
0x46: {  	[sflag:s24] =	ssyncset.done $0x0  }
0x47: {  	[sflag:s24] =	ssyncadd.s32 $0xFFFFCC00  }
0x48: {  	[tilespmem:s21], [sflag:$0x1] =	stream.indirect.gather [hbm4b:s4+s20], $0x80, s29, s20, $0xb8;
	[tilespmem:$0x1FC40] =	vst v63  }
0x49: {  	s0 =	sadd.s32 $0x2800, s0  }
0x4a: {  	[spmem:s2] =	stream.indirect.scatter.add.f32 [tilespmem:s23], [sflag:$0x4], $0x80, s0, s20, $0xb8;
	[tilespmem:$0x1FC40] =	vst v63  }
.Ltmp0:
0x4b: {  	_ =	swait.ge [sflag:s18], $0x3400;
	(pc) =	sbr.rel @p1 .LBB2_2-.Ltmp0, $4  }
0x4c: {  	[sflag:s18] =	ssyncset.done $0x0  }
0x4d: {  	[sflag:s18] =	ssyncadd.s32 $0xFFFFCC00  }
0x4e: {  	_ =	swait.ge [sflag:s25], $0x3400  }
0x4f: {  	s29 =	sadd.s32 $0xD0, s29;
	[sflag:s25] =	ssyncset.done $0x0  }
0x50: {  	s0 =	sadd.s32 $0xFFFFFF98, s29;
	s1 =	sshra.s32 s30, $0x2;
	[sflag:s25] =	ssyncadd.s32 $0xFFFFCC00  }
0x51: {  	[tilespmem:s23], [sflag:$0x2] =	stream.indirect.gather [hbm4b:s4+s20], $0x80, s0, s20, $0xb8;
	[tilespmem:$0x1FC40] =	vst v63  }
0x52: {  	s30 =	sadd.s32 $0x2780, s1  }
0x53: {  	[spmem:s2] =	stream.indirect.scatter.add.f32 [tilespmem:s21], [sflag:$0x3], $0x80, s30, s20, $0xb8;
	[tilespmem:$0x1FC40] =	vst v63  }
0x54: {  	_ =	swait.ge [sflag:s19], $0x3400  }
0x55: {  	[sflag:s19] =	ssyncset.done $0x0  }
0x56: {  	[sflag:s19] =	ssyncadd.s32 $0xFFFFCC00  }
0x57: {  	_ =	swait.ge [sflag:s24], $0x3400  }
0x58: {  	[sflag:s24] =	ssyncset.done $0x0  }
0x59: {  	[sflag:s24] =	ssyncadd.s32 $0xFFFFCC00  }
0x5a: {  	[tilespmem:s21], [sflag:$0x1] =	stream.indirect.gather [hbm4b:s4+s20], $0x80, s29, s20, $0xb8;
	[tilespmem:$0x1FC40] =	vst v63  }
0x5b: {  	s31 =	sadd.s32 $0x2800, s1  }
0x5c: {  	[spmem:s2] =	stream.indirect.scatter.add.f32 [tilespmem:s23], [sflag:$0x4], $0x80, s31, s20, $0xb8;
	[tilespmem:$0x1FC40] =	vst v63  }
0x5d: {  	_ =	swait.ge [sflag:s18], $0x3400  }
0x5e: {  	[sflag:s18] =	ssyncset.done $0x0  }
0x5f: {  	[sflag:s18] =	ssyncadd.s32 $0xFFFFCC00  }
0x60: {  	_ =	swait.ge [sflag:s25], $0x3400  }
0x61: {  	[sflag:s25] =	ssyncset.done $0x0  }
0x62: {  	[sflag:s25] =	ssyncadd.s32 $0xFFFFCC00  }
0x63: {  	[spmem:s2] =	stream.indirect.scatter.add.f32 [tilespmem:s21], [sflag:$0x5], $0x80, s26, s20, $0xb8;
	[tilespmem:$0x1FC40] =	vst v63  }
0x64: {  	_ =	swait.ge [sflag:s22], $0x3400  }
0x65: {  	[sflag:s22] =	ssyncset.done $0x0  }
0x66: {  	[sflag:s22] =	ssyncadd.s32 $0xFFFFCC00  }
0x67: {  	s0 =	simm.s32 @p0 $0x1FC5;
	[bflag:$0x0] =	sbarrier.arrive $0xFFFF  }
0x68: {  	[hbm:s9], [sflag:s0] =	dma.local @p0 [spmem:s14], $0x2800  }
0x69: {  	s0 =	simm.s32 @p0 $0x5  }
0x6a: {  	_ =	swait.ge @p0 [sflag:s0], $0x2800  }
0x6b: {  	s28 =	sadd.s32 $0x1, s28;
	[sflag:s0] =	ssyncset.done @p0 $0x0  }
0x6c: {  	p1 =	sne.s32 s28, s10;
	[sflag:s0] =	ssyncadd.s32 @p0 $0xFFFFD800;
	s0 =	sor.u32 @!p0 $0x1C05, s15  }
0x6d: {  	[hbm:s8], [sflag:s0] =	dma.local @!p0 [spmem:s17], $0x2700  }
.Ltmp1:
0x6e: {  	_ = 	snop;
	(pc) =	sbr.rel @p1 .LBB2_1-.Ltmp1, $4  }
0x6f: {  	s0 =	simm.s32 @!p0 $0x5  }
0x70: {  	_ =	swait.ge @!p0 [sflag:s0], $0x2700  }
0x71: {  	[sflag:s0] =	ssyncset.done @!p0 $0x0  }
0x72: {  	[sflag:s0] =	ssyncadd.s32 @!p0 $0xFFFFD900  }
0x73: {  	_ =	sfence.sel $0x180000  }
0x74: {  	[bflag:$0x0] =	sbarrier.arrive $0xFFFF  }
0x75: {  	_ =	strace $0x9000004A  }
0x76: {  	s0 =	stileid.u32;
	[bflag:$0x2] =	sbarrier.arrive $0xFFFF  }
0x77: {  	p0 =	sne.s32 s0, $0x0;
	s0 =	rddreg [dreg:$0x2]  }
0x78: {  	s0 =	sadd.s32 @!p0 $0x100000, s0  }
0x79: {  	[sflag:s0] =	ssyncadd.tile.s32 @!p0 $0x1;
	_ =	shalt  }
.Lfunc_end2:
_tile_overlayer_lowered:
.L_overlay_start_2:
0x7a: {  	(tag) =	ssettag $0x2  }
0x7b: {  	s0 =	rddreg [dreg:$0x0];
	s2 =	stileid.u32  }
0x7c: {  	s1 =	rddreg [dreg:$0x1];
	p0 =	sne.s32 s2, $0x0  }
0x7d: {  	s3 =	rddreg [dreg:$0x2];
	[bflag:$0x3] =	sbarrier.arrive $0xFFFF;
	s2 =	simm.s32 @!p0 $0x1C05  }
0x7e: {  	[timem:s3], [sflag:s2] =	dma.local @!p0 [hbm:s0], s1  }
0x7f: {  	s0 =	simm.s32 @!p0 $0x5  }
0x80: {  	_ =	swait.ge @!p0 [sflag:s0], s1  }
0x81: {  	s1 =	ssub.s32 @!p0 $0x0, s1;
	[sflag:s0] =	ssyncset.done @!p0 $0x0  }
0x82: {  	[sflag:s0] =	ssyncadd.s32 @!p0 s1  }
0x83: {  	[bflag:$0x3] =	sbarrier.arrive $0xFFFF  }
0x84: {  	_ =	shalt  }

// kernel: kernel.14.cloned.1.call-start
scs
__scs_entry_jumppad:
0x0: {  	(pc) =	sbr.rel $0x88, $3  }
0x1: {  	(tag) =	ssettag $0x0;
	lr =	simm.s32 $0x1  }
0x2: {  	[smem:$0x3F97] =	sst lr;
	_ =	strace $0xD0000000  }
0x3: {  	_ = 	snop  }
0x4: {  	_ = 	snop  }
0x5: {  	_ = 	snop  }
0x6: {  	_ = 	snop  }
0x7: {  	_ = 	snop  }
__scs_overlays_trampoline_lowered:
0x8: {  	[smem:$0x3FA6] =	sst s0  }
0x9: {  	[smem:$0x3FA7] =	sst s1  }
0xa: {  	[smem:$0x3FA8] =	sst s2  }
0xb: {  	[smem:$0x3FA9] =	sst s3  }
0xc: {  	[smem:$0x3FAA] =	sst s4  }
0xd: {  	[smem:$0x3FAB] =	sst s5  }
0xe: {  	[smem:$0x3FAC] =	sst s6  }
0xf: {  	[smem:$0x3FAD] =	sst s7  }
0x10: {  	[smem:$0x3FAE] =	sst s8  }
0x11: {  	[smem:$0x3FAF] =	sst s9;
	s0 =	simm.s32 @!p0 $0x0  }
0x12: {  	s1 =	sld [smem:$0x3F95];
	s0 =	simm.s32 @p0 $0x1  }
0x13: {  	[smem:$0x3FB0] =	sst s0;
	s0 =	simm.s32 @!p1 $0x0  }
0x14: {  	s2 =	sld [smem:$0x3F94];
	s0 =	simm.s32 @p1 $0x1  }
0x15: {  	[smem:$0x3FB1] =	sst s0;
	s0 =	simm.s32 @!p2 $0x0  }
0x16: {  	s3 =	sld [smem:$0x3FDB];
	s0 =	simm.s32 @p2 $0x1  }
0x17: {  	s4 =	simm.s32 $0x1BF5;
	[smem:$0x3FB3] =	sst s0  }
0x18: {  	s0 =	sld [smem:$0x3F96];
	_ =	swait.ge [sflag:s4], $0x0  }
0x19: {  	s7 =	sld [smem:$0x3F97]  }
0x1a: {  	s8 =	sadd.s32 $0xFFFFE003, lr  }
0x1b: {  	s9 =	sadd.s32 $0xFFFFFEF7, lr;
	s5 =	simm.s32 $0xFFFFFFFF;
	p2 =	slt.u32 s8, $0xFFFFF086  }
0x1c: {  	p1 =	slt.u32 s9, $0xF7A;
	s5 =	simm.s32 @!p2 $0x0  }
0x1d: {  	s5 =	simm.s32 @p1 $0x1;
	p0 =	seq.s32 s7, s2  }
0x1e: {  	s7 =	smul.u32 @!p0 $0xF7A, s2;
	p2 =	seq.s32 @!p0 s5, $0x0  }
0x1f: {  	s9 =	smul.u32 $0xF7A, s1;
	s8 =	simm.s32 @!p0 $0x1BF5;
	p2 =	por !p2, p0  }
0x20: {  	[sflag:s8] =	ssyncset.s32 @!p0 $0xFFFFF086;
	s6 =	sadd.s32 @!p0 s3, s7;
	s7 =	simm.s32 @!p0 $0x108  }
0x21: {  	s3 =	sadd.s32 s3, s9;
	s6 =	sadd.s32 @!p0 $0x88, s6;
	s7 =	simm.s32 @p2 $0x1082  }
0x22: {  	[simem:s7], [sflag:s8] =	dma.local @!p0 [hbm:s6], $0xF7A  }
0x23: {  	s9 =	sor.u32 $0xD0000000, s2;
	s6 =	simm.s32 $0x108;
	_ =	swait.ge @!p0 [sflag:s8], $0x0  }
0x24: {  	s3 =	sadd.s32 $0x88, s3;
	s6 =	simm.s32 @!p1 $0x1082;
	[sflag:s4] =	ssyncset.s32 $0xFFFFF086  }
0x25: {  	[simem:s6], [sflag:s4] =	dma.local [hbm:s3], $0xF7A  }
0x26: {  	[smem:$0x3F97] =	sst s1;
	(tag) =	ssettag s2;
	_ =	strace s9  }
0x27: {  	s1 =	sld [smem:$0x3FA7]  }
0x28: {  	s2 =	sld [smem:$0x3FA8]  }
0x29: {  	s4 =	sld [smem:$0x3FAA]  }
0x2a: {  	p0 =	seq.s32 s5, $0x0;
	s5 =	sld [smem:$0x3FAB]  }
0x2b: {  	s6 =	sld [smem:$0x3FAC]  }
0x2c: {  	s7 =	sld [smem:$0x3FAD]  }
0x2d: {  	s3 =	simm.s32 $0x108;
	s8 =	sld [smem:$0x3FAE]  }
0x2e: {  	s3 =	simm.s32 @!p0 $0x1082;
	s9 =	sld [smem:$0x3FAF]  }
0x2f: {  	lr =	sadd.s32 s0, s3;
	s0 =	sld [smem:$0x3FA6]  }
0x30: {  	s3 =	sld [smem:$0x3FA9]  }
0x31: {  	[smem:$0x3FB2] =	sst s10  }
0x32: {  	s10 =	sld [smem:$0x3FB0];
	_ =	sdelay $0x3  }
0x33: {  	p0 =	seq.s32 s10, $0x1;
	s10 =	sld [smem:$0x3FB2];
	_ =	sdelay $0x3  }
0x34: {  	[smem:$0x3FB2] =	sst s10  }
0x35: {  	s10 =	sld [smem:$0x3FB1];
	_ =	sdelay $0x3  }
0x36: {  	p1 =	seq.s32 s10, $0x1;
	s10 =	sld [smem:$0x3FB2];
	_ =	sdelay $0x3  }
0x37: {  	[smem:$0x3FB2] =	sst s10  }
0x38: {  	s10 =	sld [smem:$0x3FB3]  }
0x39: {  	_ = 	snop;
	(pc) =	sbr.ind lr, $3  }
0x3a: {  	_ = 	snop  }
0x3b: {  	_ = 	snop  }
0x3c: {  	p2 =	seq.s32 s10, $0x1;
	s10 =	sld [smem:$0x3FB2]  }
0x3d: {  	_ =	shalt  }
0x3e: {  	_ =	shalt  }
0x3f: {  	_ =	shalt  }
0x40: {  	_ =	shalt  }
0x41: {  	_ =	shalt  }
0x42: {  	_ =	shalt  }
0x43: {  	_ =	shalt  }
0x44: {  	_ =	shalt  }
0x45: {  	_ =	shalt  }
0x46: {  	_ =	shalt  }
0x47: {  	_ =	shalt  }
0x48: {  	_ =	shalt  }
0x49: {  	_ =	shalt  }
0x4a: {  	_ =	shalt  }
0x4b: {  	_ =	shalt  }
0x4c: {  	_ =	shalt  }
0x4d: {  	_ =	shalt  }
0x4e: {  	_ =	shalt  }
0x4f: {  	_ =	shalt  }
0x50: {  	_ =	shalt  }
0x51: {  	_ =	shalt  }
0x52: {  	_ =	shalt  }
0x53: {  	_ =	shalt  }
0x54: {  	_ =	shalt  }
0x55: {  	_ =	shalt  }
0x56: {  	_ =	shalt  }
0x57: {  	_ =	shalt  }
0x58: {  	_ =	shalt  }
0x59: {  	_ =	shalt  }
0x5a: {  	_ =	shalt  }
0x5b: {  	_ =	shalt  }
0x5c: {  	_ =	shalt  }
0x5d: {  	_ =	shalt  }
0x5e: {  	_ =	shalt  }
0x5f: {  	_ =	shalt  }
0x60: {  	_ =	shalt  }
0x61: {  	_ =	shalt  }
0x62: {  	_ =	shalt  }
0x63: {  	_ =	shalt  }
0x64: {  	_ =	shalt  }
0x65: {  	_ =	shalt  }
0x66: {  	_ =	shalt  }
0x67: {  	_ =	shalt  }
0x68: {  	_ =	shalt  }
0x69: {  	_ =	shalt  }
0x6a: {  	_ =	shalt  }
0x6b: {  	_ =	shalt  }
0x6c: {  	_ =	shalt  }
0x6d: {  	_ =	shalt  }
0x6e: {  	_ =	shalt  }
0x6f: {  	_ =	shalt  }
0x70: {  	_ =	shalt  }
0x71: {  	_ =	shalt  }
0x72: {  	_ =	shalt  }
0x73: {  	_ =	shalt  }
0x74: {  	_ =	shalt  }
0x75: {  	_ =	shalt  }
0x76: {  	_ =	shalt  }
0x77: {  	_ =	shalt  }
0x78: {  	_ =	shalt  }
0x79: {  	_ =	shalt  }
0x7a: {  	_ =	shalt  }
0x7b: {  	_ =	shalt  }
0x7c: {  	_ =	shalt  }
0x7d: {  	_ =	shalt  }
0x7e: {  	_ =	shalt  }
0x7f: {  	_ =	shalt  }
0x80: {  	_ =	shalt  }
0x81: {  	_ =	shalt  }
0x82: {  	_ =	shalt  }
0x83: {  	_ =	shalt  }
0x84: {  	_ =	shalt  }
0x85: {  	_ =	shalt  }
0x86: {  	_ =	shalt  }
0x87: {  	_ =	shalt  }
.Lfunc_end0:
.L_simem_size_0:
called_computation.2_lowered:
.L_overlay_start_0:
0x88: {  	s2 =	sld [smem:$0x3FD9]  }
0x89: {  	s3 =	sld [smem:$0x3FFE];
	_ =	sdelay $0x1  }
0x8a: {  	s1 =	srdreg.scid  }
0x8b: {  	s0 =	sand.u32 $0x1, s1  }
0x8c: {  	s16 =	sshll.u32 s0, $0xA;
	s2 =	sadd.s32 s3, s2  }
0x8d: {  	s2 =	sadd.s32 s2, s16  }
0x8e: {  	[smem:$0x3FBE] =	sst s2  }
0x8f: {  	_ = 	snop  }
0x90: {  	(tm) =	ssettm $0x1  }
0x91: {  	s17 =	sld [smem:$0x3FFB];
	_ =	sdelay $0x3  }
0x92: {  	_ =	strace s17  }
0x93: {  	s2 =	sld [smem:$0x3FFC];
	_ =	sdelay $0x3  }
0x94: {  	_ =	strace s2  }
0x95: {  	s2 =	sld [smem:$0x3FFD];
	_ =	sdelay $0x3  }
0x96: {  	_ =	strace s2  }
0x97: {  	_ =	strace $0x8FFFFFFF  }
0x98: {  	s18 =	sld [smem:$0x3FDB];
	_ =	sdelay $0x1  }
0x99: {  	s19 =	simm.s32 $_scs_section_size  }
0x9a: {  	s4 =	simm.s32 $_size__tile_overlayer_lowered;
	s5 =	simm.s32 $_tile_overlayer_lowered  }
0x9b: {  	s22 =	simm.s32 $0x1BFF;
	s21 =	sshll.u32 s5, $0x1;
	s2 =	sadd.s32 s19, s18  }
0x9c: {  	s6 =	simm.s32 $0x0;
	s20 =	sshll.u32 s4, $0x1;
	s4 =	sadd.s32 s21, s2  }
0x9d: {  	[timem:s6], [sflag:s22] =	dma.local [hbm:s4], s20  }
0x9e: {  	_ =	swait.ge [sflag:s22], s20  }
0x9f: {  	s3 =	ssub.s32 $0x0, s20;
	[sflag:s22] =	ssyncset.done $0x0  }
0xa0: {  	[sflag:s22] =	ssyncadd.s32 s3;
	_ =	sdelay $0x1  }
0xa1: {  	s23 =	simm.s32 $0x1B8B  }
0xa2: {  	_ =	swait.ge [sflag:s23], $0x1  }
0xa3: {  	[sflag:s23] =	ssyncset.done $0x0  }
0xa4: {  	s25 =	simm.s32 $0x1B8E;
	s24 =	sld [smem:$0x3FFE];
	[sflag:s23] =	ssyncadd.s32 $0xFFFFFFFF  }
0xa5: {  	s26 =	simm.s32 $execute0_lowered;
	[smem:$0x3FD2] =	sst s25  }
0xa6: {  	s4 =	sshll.u32 s26, $0x1;
	_ =	strace $0x8000004C;
	[dreg:$0x1] =	wrdreg $0xFFFFFFFF  }
0xa7: {  	s28 =	simm.s32 $_size_execute0_lowered;
	s2 =	sadd.s32 s2, s4;
	[dreg:$0x0] =	wrdreg $0x0  }
0xa8: {  	s4 =	sshll.u32 s28, $0x1;
	[dreg:$0x2] =	wrdreg s2  }
0xa9: {  	[dreg:$0x3] =	wrdreg s4  }
0xaa: {  	[dreg:$0x4] =	wrdreg $0xC0  }
0xab: {  	_ =	task [dreg:s6], $0x5FFFF  }
0xac: {  	[dreg:$0x1] =	wrdreg $0xFFFFFFFF  }
0xad: {  	[dreg:$0x0] =	wrdreg $0x60  }
0xae: {  	[dreg:$0x2] =	wrdreg s24  }
0xaf: {  	[dreg:$0x3] =	wrdreg $0xC3800  }
0xb0: {  	[dreg:$0x4] =	wrdreg $0x9  }
0xb1: {  	_ =	task.clear_ibuf [dreg:s6], $0x5FFFF;
	_ =	strace $0x9000004C  }
0xb2: {  	s29 =	simm.s32 $0x9;
	_ =	strace $0x8000004E  }
0xb3: {  	_ =	swait.ge [sflag:s29], $0x1  }
0xb4: {  	[sflag:s29] =	ssyncadd.s32 $0xFFFFFFFF  }
0xb5: {  	_ =	strace $0x9000004E  }
0xb6: {  	_ =	sfence  }
0xb7: {  	s30 =	sld [smem:$0x0];
	_ =	sdelay $0x2  }
0xb8: {  	s31 =	sshll.u32 s1, $0xD;
	s1 =	sshrl.u32 s1, $0x2  }
0xb9: {  	s3 =	sand.u32 $0x4000, s31;
	s1 =	sadd.s32 s1, s30  }
0xba: {  	s0 =	sor.u32 s3, s0;
	s1 =	sshll.u32 s1, $0x11  }
0xbb: {  	s0 =	sor.u32 s1, s0  }
0xbc: {  	s0 =	sadd.s32 $0x8F2B, s0  }
0xbd: {  	[sflag:s0] =	ssyncadd.remote.s32 $0x1  }
0xbe: {  	_ =	sfence.sel $0xFFFF  }
0xbf: {  	[dreg:$0x0] =	wrdreg $0xFFFFFFFF;
	(pc) =	sbr.abs _section_cstart, $3  }
0xc0: {  	[dreg:$0x1] =	wrdreg $0xFFFFFFFF  }
0xc1: {  	_ =	task.clear_ibuf [dreg:s6], $0x2FFFF;
	_ =	strace $0x9FFFFFFF  }
0xc2: {  	(tm) =	ssettm $0x7FFFFFFF  }
0xc3: {  	_ =	shalt  }
tec
execute0_lowered:
.L_overlay_start_1:
0x0: {  	(tag) =	ssettag $0x1  }
0x1: {  	s7 =	rddreg [dreg:$0x0]  }
0x2: {  	s0 =	srdreg.scid;
	s2 =	rddreg [dreg:$0x1];
	s3 =	simm.s32 $0x0  }
0x3: {  	s18 =	simm.s32 $0x1;
	s19 =	simm.s32 $0x2;
	s20 =	simm.s32 $0x68  }
0x4: {  	s21 =	simm.s32 $0x5B80;
	s22 =	simm.s32 $0x5;
	s23 =	simm.s32 $0x8F80  }
0x5: {  	s28 =	simm.s32 $0x0;
	s6 =	sand.u32 $0x1, s0;
	s0 =	stileid.u32  }
0x6: {  	[smem:$0x7FF] =	sst s3;
	s14 =	sadd.s32 $0x76E00, s7;
	s15 =	sadd.s32 $0x124800, s2  }
0x7: {  	s1 =	sshll.u32 s6, $0x4;
	s24 =	sshll.u32 s0, $0x7;
	s11 =	smul.u32 $0x4E000, s0  }
0x8: {  	_ =	strace $0x8000004D;
	s10 =	ssub.s32 $0x2, s6;
	s13 =	smul.u32 $0x138800, s6  }
0x9: {  	s26 =	smul.u32 $0x13800, s0;
	p0 =	seq.s32 s0, $0xF;
	s4 =	sor.u32 s0, s1  }
0xa: {  	s8 =	sand.u32 $0x380, s24;
	s12 =	sshrl.u32 s10, $0x1;
	s24 =	simm.s32 $0x3  }
0xb: {  	s1 =	sshrl.u32 s4, $0x3;
	s25 =	smul.u32 $0x680, s4;
	s4 =	sadd.s32 $0x11E00, s7  }
0xc: {  	s10 =	ssub.s32 s10, s12;
	s29 =	sshrl.u32 s11, $0x2;
	s30 =	sadd.s32 s26, s13  }
0xd: {  	s31 =	sshrl.u32 s13, $0x3;
	s11 =	simm.s32 $0x80;
	s5 =	smul.u32 $0x13C00, s1  }
0xe: {  	s12 =	simm.s32 $0x400;
	s13 =	simm.s32 $0x2780;
	s26 =	simm.s32 $0x5780  }
0xf: {  	s17 =	sadd.s32 s29, s2;
	s10 =	smax.u32 s10, $0x1;
	s5 =	sor.u32 s8, s5  }
0x10: {  	s17 =	sshrl.u32 @!p0 s17, $0x3;
	s8 =	sadd.s32 s25, s7;
	s5 =	sshrl.u32 s5, $0x3  }
0x11: {  	s9 =	sadd.s32 s5, s7;
	s5 =	sadd.s32 $0xF600, s7;
	s7 =	sadd.s32 $0x69E00, s8  }
0x12: {  	s8 =	sshrl.u32 s30, $0x3;
	s6 =	sadd.s32 $0x60000, s9;
	s9 =	sadd.s32 s14, s31  }
0x13: {  	s8 =	sadd.s32 s14, s8;
	s14 =	sshrl.u32 @p0 s15, $0x3;
	s15 =	sshll.u32 @!p0 s0, $0x6  }
0x14: {  	s25 =	simm.s32 $0x4;
	s9 =	sadd.s32 $0x24900, s9;
	s16 =	sor.u32 @!p0 $0x1C03, s15  }
.LBB2_1:
0x15: {  	[tilespmem:s3], [sflag:$0x1] =	stream.strided.gather [hbm4b:s6+s11], $0x2780, s12, s11, $0x38;
	[tilespmem:$0x1FC40] =	vst v63  }
0x16: {  	s29 =	simm.s32 @p0 $0x1FC3  }
0x17: {  	[tilespmem:s13], [sflag:$0x2] =	stream.linear.gather [hbm4b:s7+s3], $0x3080, $0x38;
	[tilespmem:$0x1FC40] =	vst v63  }
0x18: {  	[spmem:s14], [sflag:s29] =	dma.local @p0 [hbm:s5], $0x2800  }
0x19: {  	s29 =	simm.s32 @p0 $0x3  }
0x1a: {  	_ =	swait.ge @p0 [sflag:s29], $0x2800  }
0x1b: {  	[sflag:s29] =	ssyncset.done @p0 $0x0  }
0x1c: {  	[sflag:s29] =	ssyncadd.s32 @p0 $0xFFFFD800;
	s29 =	simm.s32 @!p0 $0x3  }
0x1d: {  	[spmem:s17], [sflag:s16] =	dma.local @!p0 [hbm:s5], $0x2700  }
0x1e: {  	_ =	swait.ge @!p0 [sflag:s29], $0x2700  }
0x1f: {  	[sflag:s29] =	ssyncset.done @!p0 $0x0  }
0x20: {  	[sflag:s29] =	ssyncadd.s32 @!p0 $0xFFFFD900  }
0x21: {  	_ =	swait.ge [sflag:s18], $0x2780  }
0x22: {  	[sflag:s18] =	ssyncset.done $0x0  }
0x23: {  	[sflag:s18] =	ssyncadd.s32 $0xFFFFD880  }
0x24: {  	_ =	swait.ge [sflag:s19], $0x3080  }
0x25: {  	[sflag:s19] =	ssyncset.done $0x0  }
0x26: {  	[sflag:s19] =	ssyncadd.s32 $0xFFFFCF80  }
0x27: {  	[bflag:$0x0] =	sbarrier.arrive $0xFFFF  }
0x28: {  	[tilespmem:s21], [sflag:$0x5] =	stream.indirect.gather [hbm4b:s4+s20], $0x80, s3, s20, $0xb8;
	[tilespmem:$0x1FC40] =	vst v63  }
0x29: {  	_ =	swait.ge [sflag:s22], $0x3400  }
0x2a: {  	[sflag:s22] =	ssyncset.done $0x0  }
0x2b: {  	s29 =	simm.s32 $0x68;
	[sflag:s22] =	ssyncadd.s32 $0xFFFFCC00  }
0x2c: {  	[tilespmem:s23], [sflag:$0x2] =	stream.indirect.gather [hbm4b:s4+s20], $0x80, s29, s20, $0xb8;
	[tilespmem:$0x1FC40] =	vst v63  }
0x2d: {  	s29 =	simm.s32 $0x2780  }
0x2e: {  	[spmem:s2] =	stream.indirect.scatter.add.f32 [tilespmem:s21], [sflag:$0x3], $0x80, s29, s20, $0xb8;
	[tilespmem:$0x1FC40] =	vst v63  }
0x2f: {  	_ =	swait.ge [sflag:s19], $0x3400  }
0x30: {  	[sflag:s19] =	ssyncset.done $0x0  }
0x31: {  	[sflag:s19] =	ssyncadd.s32 $0xFFFFCC00  }
0x32: {  	_ =	swait.ge [sflag:s24], $0x3400  }
0x33: {  	[sflag:s24] =	ssyncset.done $0x0  }
0x34: {  	s29 =	simm.s32 $0xD0;
	[sflag:s24] =	ssyncadd.s32 $0xFFFFCC00  }
0x35: {  	[tilespmem:s21], [sflag:$0x1] =	stream.indirect.gather [hbm4b:s4+s20], $0x80, s29, s20, $0xb8;
	[tilespmem:$0x1FC40] =	vst v63  }
0x36: {  	s29 =	simm.s32 $0x2800  }
0x37: {  	[spmem:s2] =	stream.indirect.scatter.add.f32 [tilespmem:s23], [sflag:$0x4], $0x80, s29, s20, $0xb8;
	[tilespmem:$0x1FC40] =	vst v63  }
0x38: {  	_ =	swait.ge [sflag:s18], $0x3400  }
0x39: {  	[sflag:s18] =	ssyncset.done $0x0  }
0x3a: {  	[sflag:s18] =	ssyncadd.s32 $0xFFFFCC00  }
0x3b: {  	s30 =	simm.s32 $0x400;
	_ =	swait.ge [sflag:s25], $0x3400  }
0x3c: {  	s31 =	simm.s32 $0x800;
	s29 =	simm.s32 $0x1A0;
	[sflag:s25] =	ssyncset.done $0x0  }
.LBB2_2:
0x3d: {  	s1 =	sadd.s32 $0xFFFFFF98, s29  }
0x3e: {  	s0 =	sshra.s32 s30, $0x2;
	[sflag:s25] =	ssyncadd.s32 $0xFFFFCC00;
	s30 =	smov.u32 s31  }
0x3f: {  	[tilespmem:s23], [sflag:$0x2] =	stream.indirect.gather [hbm4b:s4+s20], $0x80, s1, s20, $0xb8;
	[tilespmem:$0x1FC40] =	vst v63  }
0x40: {  	p1 =	sne.s32 s31, $0xBC00;
	s31 =	sadd.s32 $0x400, s31;
	s1 =	sadd.s32 $0x2780, s0  }
0x41: {  	[spmem:s2] =	stream.indirect.scatter.add.f32 [tilespmem:s21], [sflag:$0x3], $0x80, s1, s20, $0xb8;
	[tilespmem:$0x1FC40] =	vst v63  }
0x42: {  	_ =	swait.ge [sflag:s19], $0x3400  }
0x43: {  	[sflag:s19] =	ssyncset.done $0x0  }
0x44: {  	[sflag:s19] =	ssyncadd.s32 $0xFFFFCC00  }
0x45: {  	_ =	swait.ge [sflag:s24], $0x3400  }
0x46: {  	[sflag:s24] =	ssyncset.done $0x0  }
0x47: {  	[sflag:s24] =	ssyncadd.s32 $0xFFFFCC00  }
0x48: {  	[tilespmem:s21], [sflag:$0x1] =	stream.indirect.gather [hbm4b:s4+s20], $0x80, s29, s20, $0xb8;
	[tilespmem:$0x1FC40] =	vst v63  }
0x49: {  	s0 =	sadd.s32 $0x2800, s0  }
0x4a: {  	[spmem:s2] =	stream.indirect.scatter.add.f32 [tilespmem:s23], [sflag:$0x4], $0x80, s0, s20, $0xb8;
	[tilespmem:$0x1FC40] =	vst v63  }
.Ltmp0:
0x4b: {  	_ =	swait.ge [sflag:s18], $0x3400;
	(pc) =	sbr.rel @p1 .LBB2_2-.Ltmp0, $4  }
0x4c: {  	[sflag:s18] =	ssyncset.done $0x0  }
0x4d: {  	[sflag:s18] =	ssyncadd.s32 $0xFFFFCC00  }
0x4e: {  	_ =	swait.ge [sflag:s25], $0x3400  }
0x4f: {  	s29 =	sadd.s32 $0xD0, s29;
	[sflag:s25] =	ssyncset.done $0x0  }
0x50: {  	s0 =	sadd.s32 $0xFFFFFF98, s29;
	s1 =	sshra.s32 s30, $0x2;
	[sflag:s25] =	ssyncadd.s32 $0xFFFFCC00  }
0x51: {  	[tilespmem:s23], [sflag:$0x2] =	stream.indirect.gather [hbm4b:s4+s20], $0x80, s0, s20, $0xb8;
	[tilespmem:$0x1FC40] =	vst v63  }
0x52: {  	s30 =	sadd.s32 $0x2780, s1  }
0x53: {  	[spmem:s2] =	stream.indirect.scatter.add.f32 [tilespmem:s21], [sflag:$0x3], $0x80, s30, s20, $0xb8;
	[tilespmem:$0x1FC40] =	vst v63  }
0x54: {  	_ =	swait.ge [sflag:s19], $0x3400  }
0x55: {  	[sflag:s19] =	ssyncset.done $0x0  }
0x56: {  	[sflag:s19] =	ssyncadd.s32 $0xFFFFCC00  }
0x57: {  	_ =	swait.ge [sflag:s24], $0x3400  }
0x58: {  	[sflag:s24] =	ssyncset.done $0x0  }
0x59: {  	[sflag:s24] =	ssyncadd.s32 $0xFFFFCC00  }
0x5a: {  	[tilespmem:s21], [sflag:$0x1] =	stream.indirect.gather [hbm4b:s4+s20], $0x80, s29, s20, $0xb8;
	[tilespmem:$0x1FC40] =	vst v63  }
0x5b: {  	s31 =	sadd.s32 $0x2800, s1  }
0x5c: {  	[spmem:s2] =	stream.indirect.scatter.add.f32 [tilespmem:s23], [sflag:$0x4], $0x80, s31, s20, $0xb8;
	[tilespmem:$0x1FC40] =	vst v63  }
0x5d: {  	_ =	swait.ge [sflag:s18], $0x3400  }
0x5e: {  	[sflag:s18] =	ssyncset.done $0x0  }
0x5f: {  	[sflag:s18] =	ssyncadd.s32 $0xFFFFCC00  }
0x60: {  	_ =	swait.ge [sflag:s25], $0x3400  }
0x61: {  	[sflag:s25] =	ssyncset.done $0x0  }
0x62: {  	[sflag:s25] =	ssyncadd.s32 $0xFFFFCC00  }
0x63: {  	[spmem:s2] =	stream.indirect.scatter.add.f32 [tilespmem:s21], [sflag:$0x5], $0x80, s26, s20, $0xb8;
	[tilespmem:$0x1FC40] =	vst v63  }
0x64: {  	_ =	swait.ge [sflag:s22], $0x3400  }
0x65: {  	[sflag:s22] =	ssyncset.done $0x0  }
0x66: {  	[sflag:s22] =	ssyncadd.s32 $0xFFFFCC00  }
0x67: {  	s0 =	simm.s32 @p0 $0x1FC5;
	[bflag:$0x0] =	sbarrier.arrive $0xFFFF  }
0x68: {  	[hbm:s9], [sflag:s0] =	dma.local @p0 [spmem:s14], $0x2800  }
0x69: {  	s0 =	simm.s32 @p0 $0x5  }
0x6a: {  	_ =	swait.ge @p0 [sflag:s0], $0x2800  }
0x6b: {  	s28 =	sadd.s32 $0x1, s28;
	[sflag:s0] =	ssyncset.done @p0 $0x0  }
0x6c: {  	p1 =	sne.s32 s28, s10;
	[sflag:s0] =	ssyncadd.s32 @p0 $0xFFFFD800;
	s0 =	sor.u32 @!p0 $0x1C05, s15  }
0x6d: {  	[hbm:s8], [sflag:s0] =	dma.local @!p0 [spmem:s17], $0x2700  }
.Ltmp1:
0x6e: {  	_ = 	snop;
	(pc) =	sbr.rel @p1 .LBB2_1-.Ltmp1, $4  }
0x6f: {  	s0 =	simm.s32 @!p0 $0x5  }
0x70: {  	_ =	swait.ge @!p0 [sflag:s0], $0x2700  }
0x71: {  	[sflag:s0] =	ssyncset.done @!p0 $0x0  }
0x72: {  	[sflag:s0] =	ssyncadd.s32 @!p0 $0xFFFFD900  }
0x73: {  	_ =	sfence.sel $0x180000  }
0x74: {  	[bflag:$0x0] =	sbarrier.arrive $0xFFFF  }
0x75: {  	_ =	strace $0x9000004D  }
0x76: {  	s0 =	stileid.u32;
	[bflag:$0x2] =	sbarrier.arrive $0xFFFF  }
0x77: {  	p0 =	sne.s32 s0, $0x0;
	s0 =	rddreg [dreg:$0x2]  }
0x78: {  	s0 =	sadd.s32 @!p0 $0x100000, s0  }
0x79: {  	[sflag:s0] =	ssyncadd.tile.s32 @!p0 $0x1;
	_ =	shalt  }
.Lfunc_end2:
_tile_overlayer_lowered:
.L_overlay_start_2:
0x7a: {  	(tag) =	ssettag $0x2  }
0x7b: {  	s0 =	rddreg [dreg:$0x0];
	s2 =	stileid.u32  }
0x7c: {  	s1 =	rddreg [dreg:$0x1];
	p0 =	sne.s32 s2, $0x0  }
0x7d: {  	s3 =	rddreg [dreg:$0x2];
	[bflag:$0x3] =	sbarrier.arrive $0xFFFF;
	s2 =	simm.s32 @!p0 $0x1C05  }
0x7e: {  	[timem:s3], [sflag:s2] =	dma.local @!p0 [hbm:s0], s1  }
0x7f: {  	s0 =	simm.s32 @!p0 $0x5  }
0x80: {  	_ =	swait.ge @!p0 [sflag:s0], s1  }
0x81: {  	s1 =	ssub.s32 @!p0 $0x0, s1;
	[sflag:s0] =	ssyncset.done @!p0 $0x0  }
0x82: {  	[sflag:s0] =	ssyncadd.s32 @!p0 s1  }
0x83: {  	[bflag:$0x3] =	sbarrier.arrive $0xFFFF  }
0x84: {  	_ =	shalt  }

// kernel: kernel.8.cloned.1.call-start
scs
__scs_entry_jumppad:
0x0: {  	(pc) =	sbr.rel $0x88, $3  }
0x1: {  	(tag) =	ssettag $0x0;
	lr =	simm.s32 $0x1  }
0x2: {  	[smem:$0x3F97] =	sst lr;
	_ =	strace $0xD0000000  }
0x3: {  	_ = 	snop  }
0x4: {  	_ = 	snop  }
0x5: {  	_ = 	snop  }
0x6: {  	_ = 	snop  }
0x7: {  	_ = 	snop  }
__scs_overlays_trampoline_lowered:
0x8: {  	[smem:$0x3FA6] =	sst s0  }
0x9: {  	[smem:$0x3FA7] =	sst s1  }
0xa: {  	[smem:$0x3FA8] =	sst s2  }
0xb: {  	[smem:$0x3FA9] =	sst s3  }
0xc: {  	[smem:$0x3FAA] =	sst s4  }
0xd: {  	[smem:$0x3FAB] =	sst s5  }
0xe: {  	[smem:$0x3FAC] =	sst s6  }
0xf: {  	[smem:$0x3FAD] =	sst s7  }
0x10: {  	[smem:$0x3FAE] =	sst s8  }
0x11: {  	[smem:$0x3FAF] =	sst s9;
	s0 =	simm.s32 @!p0 $0x0  }
0x12: {  	s1 =	sld [smem:$0x3F95];
	s0 =	simm.s32 @p0 $0x1  }
0x13: {  	[smem:$0x3FB0] =	sst s0;
	s0 =	simm.s32 @!p1 $0x0  }
0x14: {  	s2 =	sld [smem:$0x3F94];
	s0 =	simm.s32 @p1 $0x1  }
0x15: {  	[smem:$0x3FB1] =	sst s0;
	s0 =	simm.s32 @!p2 $0x0  }
0x16: {  	s3 =	sld [smem:$0x3FDB];
	s0 =	simm.s32 @p2 $0x1  }
0x17: {  	s4 =	simm.s32 $0x1BF5;
	[smem:$0x3FB3] =	sst s0  }
0x18: {  	s0 =	sld [smem:$0x3F96];
	_ =	swait.ge [sflag:s4], $0x0  }
0x19: {  	s7 =	sld [smem:$0x3F97]  }
0x1a: {  	s8 =	sadd.s32 $0xFFFFE003, lr  }
0x1b: {  	s9 =	sadd.s32 $0xFFFFFEF7, lr;
	s5 =	simm.s32 $0xFFFFFFFF;
	p2 =	slt.u32 s8, $0xFFFFF086  }
0x1c: {  	p1 =	slt.u32 s9, $0xF7A;
	s5 =	simm.s32 @!p2 $0x0  }
0x1d: {  	s5 =	simm.s32 @p1 $0x1;
	p0 =	seq.s32 s7, s2  }
0x1e: {  	s7 =	smul.u32 @!p0 $0xF7A, s2;
	p2 =	seq.s32 @!p0 s5, $0x0  }
0x1f: {  	s9 =	smul.u32 $0xF7A, s1;
	s8 =	simm.s32 @!p0 $0x1BF5;
	p2 =	por !p2, p0  }
0x20: {  	[sflag:s8] =	ssyncset.s32 @!p0 $0xFFFFF086;
	s6 =	sadd.s32 @!p0 s3, s7;
	s7 =	simm.s32 @!p0 $0x108  }
0x21: {  	s3 =	sadd.s32 s3, s9;
	s6 =	sadd.s32 @!p0 $0x88, s6;
	s7 =	simm.s32 @p2 $0x1082  }
0x22: {  	[simem:s7], [sflag:s8] =	dma.local @!p0 [hbm:s6], $0xF7A  }
0x23: {  	s9 =	sor.u32 $0xD0000000, s2;
	s6 =	simm.s32 $0x108;
	_ =	swait.ge @!p0 [sflag:s8], $0x0  }
0x24: {  	s3 =	sadd.s32 $0x88, s3;
	s6 =	simm.s32 @!p1 $0x1082;
	[sflag:s4] =	ssyncset.s32 $0xFFFFF086  }
0x25: {  	[simem:s6], [sflag:s4] =	dma.local [hbm:s3], $0xF7A  }
0x26: {  	[smem:$0x3F97] =	sst s1;
	(tag) =	ssettag s2;
	_ =	strace s9  }
0x27: {  	s1 =	sld [smem:$0x3FA7]  }
0x28: {  	s2 =	sld [smem:$0x3FA8]  }
0x29: {  	s4 =	sld [smem:$0x3FAA]  }
0x2a: {  	p0 =	seq.s32 s5, $0x0;
	s5 =	sld [smem:$0x3FAB]  }
0x2b: {  	s6 =	sld [smem:$0x3FAC]  }
0x2c: {  	s7 =	sld [smem:$0x3FAD]  }
0x2d: {  	s3 =	simm.s32 $0x108;
	s8 =	sld [smem:$0x3FAE]  }
0x2e: {  	s3 =	simm.s32 @!p0 $0x1082;
	s9 =	sld [smem:$0x3FAF]  }
0x2f: {  	lr =	sadd.s32 s0, s3;
	s0 =	sld [smem:$0x3FA6]  }
0x30: {  	s3 =	sld [smem:$0x3FA9]  }
0x31: {  	[smem:$0x3FB2] =	sst s10  }
0x32: {  	s10 =	sld [smem:$0x3FB0];
	_ =	sdelay $0x3  }
0x33: {  	p0 =	seq.s32 s10, $0x1;
	s10 =	sld [smem:$0x3FB2];
	_ =	sdelay $0x3  }
0x34: {  	[smem:$0x3FB2] =	sst s10  }
0x35: {  	s10 =	sld [smem:$0x3FB1];
	_ =	sdelay $0x3  }
0x36: {  	p1 =	seq.s32 s10, $0x1;
	s10 =	sld [smem:$0x3FB2];
	_ =	sdelay $0x3  }
0x37: {  	[smem:$0x3FB2] =	sst s10  }
0x38: {  	s10 =	sld [smem:$0x3FB3]  }
0x39: {  	_ = 	snop;
	(pc) =	sbr.ind lr, $3  }
0x3a: {  	_ = 	snop  }
0x3b: {  	_ = 	snop  }
0x3c: {  	p2 =	seq.s32 s10, $0x1;
	s10 =	sld [smem:$0x3FB2]  }
0x3d: {  	_ =	shalt  }
0x3e: {  	_ =	shalt  }
0x3f: {  	_ =	shalt  }
0x40: {  	_ =	shalt  }
0x41: {  	_ =	shalt  }
0x42: {  	_ =	shalt  }
0x43: {  	_ =	shalt  }
0x44: {  	_ =	shalt  }
0x45: {  	_ =	shalt  }
0x46: {  	_ =	shalt  }
0x47: {  	_ =	shalt  }
0x48: {  	_ =	shalt  }
0x49: {  	_ =	shalt  }
0x4a: {  	_ =	shalt  }
0x4b: {  	_ =	shalt  }
0x4c: {  	_ =	shalt  }
0x4d: {  	_ =	shalt  }
0x4e: {  	_ =	shalt  }
0x4f: {  	_ =	shalt  }
0x50: {  	_ =	shalt  }
0x51: {  	_ =	shalt  }
0x52: {  	_ =	shalt  }
0x53: {  	_ =	shalt  }
0x54: {  	_ =	shalt  }
0x55: {  	_ =	shalt  }
0x56: {  	_ =	shalt  }
0x57: {  	_ =	shalt  }
0x58: {  	_ =	shalt  }
0x59: {  	_ =	shalt  }
0x5a: {  	_ =	shalt  }
0x5b: {  	_ =	shalt  }
0x5c: {  	_ =	shalt  }
0x5d: {  	_ =	shalt  }
0x5e: {  	_ =	shalt  }
0x5f: {  	_ =	shalt  }
0x60: {  	_ =	shalt  }
0x61: {  	_ =	shalt  }
0x62: {  	_ =	shalt  }
0x63: {  	_ =	shalt  }
0x64: {  	_ =	shalt  }
0x65: {  	_ =	shalt  }
0x66: {  	_ =	shalt  }
0x67: {  	_ =	shalt  }
0x68: {  	_ =	shalt  }
0x69: {  	_ =	shalt  }
0x6a: {  	_ =	shalt  }
0x6b: {  	_ =	shalt  }
0x6c: {  	_ =	shalt  }
0x6d: {  	_ =	shalt  }
0x6e: {  	_ =	shalt  }
0x6f: {  	_ =	shalt  }
0x70: {  	_ =	shalt  }
0x71: {  	_ =	shalt  }
0x72: {  	_ =	shalt  }
0x73: {  	_ =	shalt  }
0x74: {  	_ =	shalt  }
0x75: {  	_ =	shalt  }
0x76: {  	_ =	shalt  }
0x77: {  	_ =	shalt  }
0x78: {  	_ =	shalt  }
0x79: {  	_ =	shalt  }
0x7a: {  	_ =	shalt  }
0x7b: {  	_ =	shalt  }
0x7c: {  	_ =	shalt  }
0x7d: {  	_ =	shalt  }
0x7e: {  	_ =	shalt  }
0x7f: {  	_ =	shalt  }
0x80: {  	_ =	shalt  }
0x81: {  	_ =	shalt  }
0x82: {  	_ =	shalt  }
0x83: {  	_ =	shalt  }
0x84: {  	_ =	shalt  }
0x85: {  	_ =	shalt  }
0x86: {  	_ =	shalt  }
0x87: {  	_ =	shalt  }
.Lfunc_end0:
.L_simem_size_0:
called_computation_lowered:
.L_overlay_start_0:
0x88: {  	s2 =	sld [smem:$0x3FD9]  }
0x89: {  	s3 =	sld [smem:$0x3FFE];
	_ =	sdelay $0x1  }
0x8a: {  	s1 =	srdreg.scid  }
0x8b: {  	s0 =	sand.u32 $0x1, s1  }
0x8c: {  	s16 =	sshll.u32 s0, $0xA;
	s2 =	sadd.s32 s3, s2  }
0x8d: {  	s2 =	sadd.s32 s2, s16  }
0x8e: {  	[smem:$0x3FBE] =	sst s2  }
0x8f: {  	_ = 	snop  }
0x90: {  	(tm) =	ssettm $0x1  }
0x91: {  	s17 =	sld [smem:$0x3FFB];
	_ =	sdelay $0x3  }
0x92: {  	_ =	strace s17  }
0x93: {  	s2 =	sld [smem:$0x3FFC];
	_ =	sdelay $0x3  }
0x94: {  	_ =	strace s2  }
0x95: {  	s2 =	sld [smem:$0x3FFD];
	_ =	sdelay $0x3  }
0x96: {  	_ =	strace s2  }
0x97: {  	_ =	strace $0x8FFFFFFF  }
0x98: {  	s18 =	sld [smem:$0x3FDB];
	_ =	sdelay $0x1  }
0x99: {  	s19 =	simm.s32 $_scs_section_size  }
0x9a: {  	s4 =	simm.s32 $_size__tile_overlayer_lowered;
	s5 =	simm.s32 $_tile_overlayer_lowered  }
0x9b: {  	s22 =	simm.s32 $0x1BFF;
	s21 =	sshll.u32 s5, $0x1;
	s2 =	sadd.s32 s19, s18  }
0x9c: {  	s6 =	simm.s32 $0x0;
	s20 =	sshll.u32 s4, $0x1;
	s4 =	sadd.s32 s21, s2  }
0x9d: {  	[timem:s6], [sflag:s22] =	dma.local [hbm:s4], s20  }
0x9e: {  	_ =	swait.ge [sflag:s22], s20  }
0x9f: {  	s3 =	ssub.s32 $0x0, s20;
	[sflag:s22] =	ssyncset.done $0x0  }
0xa0: {  	[sflag:s22] =	ssyncadd.s32 s3;
	_ =	sdelay $0x1  }
0xa1: {  	s23 =	simm.s32 $0x1B8B  }
0xa2: {  	_ =	swait.ge [sflag:s23], $0x1  }
0xa3: {  	[sflag:s23] =	ssyncset.done $0x0  }
0xa4: {  	s25 =	simm.s32 $0x1B8E;
	s24 =	sld [smem:$0x3FFE];
	[sflag:s23] =	ssyncadd.s32 $0xFFFFFFFF  }
0xa5: {  	s26 =	simm.s32 $execute0_lowered;
	[smem:$0x3FD2] =	sst s25  }
0xa6: {  	s4 =	sshll.u32 s26, $0x1;
	_ =	strace $0x80000046;
	[dreg:$0x1] =	wrdreg $0xFFFFFFFF  }
0xa7: {  	s28 =	simm.s32 $_size_execute0_lowered;
	s2 =	sadd.s32 s2, s4;
	[dreg:$0x0] =	wrdreg $0x0  }
0xa8: {  	s4 =	sshll.u32 s28, $0x1;
	[dreg:$0x2] =	wrdreg s2  }
0xa9: {  	[dreg:$0x3] =	wrdreg s4  }
0xaa: {  	[dreg:$0x4] =	wrdreg $0xC0  }
0xab: {  	_ =	task [dreg:s6], $0x5FFFF  }
0xac: {  	[dreg:$0x1] =	wrdreg $0xFFFFFFFF  }
0xad: {  	[dreg:$0x0] =	wrdreg $0x60  }
0xae: {  	[dreg:$0x2] =	wrdreg s24  }
0xaf: {  	[dreg:$0x3] =	wrdreg $0x68000  }
0xb0: {  	[dreg:$0x4] =	wrdreg $0x9  }
0xb1: {  	_ =	task.clear_ibuf [dreg:s6], $0x5FFFF;
	_ =	strace $0x90000046  }
0xb2: {  	s29 =	simm.s32 $0x9;
	_ =	strace $0x80000048  }
0xb3: {  	_ =	swait.ge [sflag:s29], $0x1  }
0xb4: {  	[sflag:s29] =	ssyncadd.s32 $0xFFFFFFFF  }
0xb5: {  	_ =	strace $0x90000048  }
0xb6: {  	_ =	sfence  }
0xb7: {  	s30 =	sld [smem:$0x0];
	_ =	sdelay $0x2  }
0xb8: {  	s31 =	sshll.u32 s1, $0xD;
	s1 =	sshrl.u32 s1, $0x2  }
0xb9: {  	s3 =	sand.u32 $0x4000, s31;
	s1 =	sadd.s32 s1, s30  }
0xba: {  	s0 =	sor.u32 s3, s0;
	s1 =	sshll.u32 s1, $0x11  }
0xbb: {  	s0 =	sor.u32 s1, s0  }
0xbc: {  	s0 =	sadd.s32 $0x8F2B, s0  }
0xbd: {  	[sflag:s0] =	ssyncadd.remote.s32 $0x1  }
0xbe: {  	_ =	sfence.sel $0xFFFF  }
0xbf: {  	[dreg:$0x0] =	wrdreg $0xFFFFFFFF;
	(pc) =	sbr.abs _section_cstart, $3  }
0xc0: {  	[dreg:$0x1] =	wrdreg $0xFFFFFFFF  }
0xc1: {  	_ =	task.clear_ibuf [dreg:s6], $0x2FFFF;
	_ =	strace $0x9FFFFFFF  }
0xc2: {  	(tm) =	ssettm $0x7FFFFFFF  }
0xc3: {  	_ =	shalt  }
tec
execute0_lowered:
.L_overlay_start_1:
0x0: {  	(tag) =	ssettag $0x1  }
0x1: {  	s0 =	srdreg.scid;
	s6 =	rddreg [dreg:$0x0]  }
0x2: {  	s2 =	rddreg [dreg:$0x1];
	s3 =	simm.s32 $0x0;
	s13 =	simm.s32 $0x1  }
0x3: {  	s14 =	simm.s32 $0x68;
	s15 =	simm.s32 $0x3400;
	s16 =	simm.s32 $0x2  }
0x4: {  	s17 =	simm.s32 $0x3000;
	s5 =	sand.u32 $0x1, s0;
	s0 =	stileid.u32  }
0x5: {  	s18 =	simm.s32 $0x3;
	s19 =	simm.s32 $0x0;
	s8 =	smul.u32 $0x4E000, s0  }
0x6: {  	[smem:$0x7FF] =	sst s3;
	s1 =	sshll.u32 s5, $0x4;
	s10 =	smul.u32 $0x138800, s5  }
0x7: {  	s9 =	ssub.s32 $0x2, s5;
	s11 =	smul.u32 $0x13800, s0;
	p0 =	seq.s32 s0, $0xF  }
0x8: {  	s4 =	sor.u32 s0, s1;
	s1 =	rddreg [dreg:$0x2];
	s28 =	sshrl.u32 s9, $0x1  }
0x9: {  	s4 =	smul.u32 $0x680, s4;
	s9 =	ssub.s32 s9, s28;
	s29 =	sshrl.u32 s8, $0x2  }
0xa: {  	s30 =	sadd.s32 s11, s10;
	s31 =	sshrl.u32 s10, $0x3;
	s10 =	sadd.s32 $0x124800, s2  }
0xb: {  	s7 =	sadd.s32 s4, s6;
	s4 =	sadd.s32 $0xF600, s6;
	s6 =	sadd.s32 $0x11E00, s6  }
0xc: {  	s5 =	sadd.s32 $0x2600, s7;
	s7 =	sshrl.u32 s30, $0x3;
	s8 =	sadd.s32 s6, s31  }
0xd: {  	s12 =	sadd.s32 s29, s2;
	s6 =	sadd.s32 s6, s7;
	s7 =	sadd.s32 $0x24900, s8  }
0xe: {  	s8 =	smax.u32 s9, $0x1;
	s9 =	sshrl.u32 @p0 s10, $0x3;
	s10 =	sshll.u32 @!p0 s0, $0x6  }
0xf: {  	v0 =	vimm.f32 $1.000000000e+00;
	_ =	strace $0x80000047;
	s12 =	sshrl.u32 @!p0 s12, $0x3;
	s11 =	sor.u32 @!p0 $0x1C02, s10  }
.LBB2_1:
0x10: {  	[tilespmem:s3], [sflag:$0x1] =	stream.linear.gather [hbm4b:s5+s3], $0x3080, $0x38;
	[tilespmem:$0x1A0C0] =	vst v63  }
0x11: {  	s20 =	simm.s32 $0x0;
	s21 =	simm.s32 $0x200  }
.LBB2_2:
0x12: {  	p1 =	sne.s32 s21, $0xCE00;
	[tilespmem:s20+$0x3470] =	vst v0  }
0x13: {  	[tilespmem:s20+$0x3400] =	vst v0  }
0x14: {  	[tilespmem:s20+$0x3410] =	vst v0  }
.Ltmp0:
0x15: {  	[tilespmem:s20+$0x3420] =	vst v0;
	(pc) =	sbr.rel @p1 .LBB2_2-.Ltmp0, $4  }
0x16: {  	[tilespmem:s20+$0x3430] =	vst v0  }
0x17: {  	[tilespmem:s20+$0x3440] =	vst v0  }
0x18: {  	[tilespmem:s20+$0x3450] =	vst v0  }
0x19: {  	[tilespmem:s20+$0x3460] =	vst v0;
	s20 =	sshra.s32 s21, $0x2;
	s21 =	sadd.s32 $0x200, s21  }
0x1a: {  	[tilespmem:s20+$0x3470] =	vst v0  }
0x1b: {  	[tilespmem:s20+$0x3400] =	vst v0  }
0x1c: {  	[tilespmem:s20+$0x3410] =	vst v0  }
0x1d: {  	[tilespmem:s20+$0x3420] =	vst v0  }
0x1e: {  	[tilespmem:s20+$0x3430] =	vst v0  }
0x1f: {  	[tilespmem:s20+$0x3440] =	vst v0  }
0x20: {  	[tilespmem:s20+$0x3450] =	vst v0  }
0x21: {  	[tilespmem:s20+$0x3460] =	vst v0;
	s20 =	simm.s32 @p0 $0x1FC2  }
0x22: {  	[spmem:s9], [sflag:s20] =	dma.local @p0 [hbm:s4], $0x2800  }
0x23: {  	s20 =	simm.s32 @p0 $0x2  }
0x24: {  	_ =	swait.ge @p0 [sflag:s20], $0x2800  }
0x25: {  	[sflag:s20] =	ssyncset.done @p0 $0x0  }
0x26: {  	[sflag:s20] =	ssyncadd.s32 @p0 $0xFFFFD800;
	s20 =	simm.s32 @!p0 $0x2  }
0x27: {  	[spmem:s12], [sflag:s11] =	dma.local @!p0 [hbm:s4], $0x2700  }
0x28: {  	_ =	swait.ge @!p0 [sflag:s20], $0x2700  }
0x29: {  	[sflag:s20] =	ssyncset.done @!p0 $0x0  }
0x2a: {  	[sflag:s20] =	ssyncadd.s32 @!p0 $0xFFFFD900  }
0x2b: {  	_ =	swait.ge [sflag:s13], $0x3080  }
0x2c: {  	[sflag:s13] =	ssyncset.done $0x0  }
0x2d: {  	[sflag:s13] =	ssyncadd.s32 $0xFFFFCF80  }
0x2e: {  	s30 =	simm.s32 $0x0;
	[bflag:$0x0] =	sbarrier.arrive $0xFFFF  }
0x2f: {  	[spmem:s2] =	stream.indirect.scatter.add.f32 [tilespmem:s15], [sflag:$0x1], $0x80, s30, s14, $0xb8;
	[tilespmem:$0x1A0C0] =	vst v63  }
0x30: {  	s31 =	simm.s32 $0x80  }
0x31: {  	[spmem:s2] =	stream.indirect.scatter.add.f32 [tilespmem:s15], [sflag:$0x2], $0x80, s31, s14, $0xb8;
	[tilespmem:$0x1A0C0] =	vst v63  }
0x32: {  	_ =	swait.ge [sflag:s13], $0x3400  }
0x33: {  	[sflag:s13] =	ssyncset.done $0x0  }
0x34: {  	[sflag:s13] =	ssyncadd.s32 $0xFFFFCC00  }
0x35: {  	_ =	swait.ge [sflag:s16], $0x3400  }
0x36: {  	s21 =	simm.s32 $0x800;
	s20 =	simm.s32 $0x400;
	[sflag:s16] =	ssyncset.done $0x0  }
.LBB2_4:
0x37: {  	s22 =	sshra.s32 s20, $0x2  }
0x38: {  	[sflag:s16] =	ssyncadd.s32 $0xFFFFCC00;
	s20 =	smov.u32 s21;
	s23 =	sadd.s32 $0x400, s21  }
0x39: {  	[spmem:s2] =	stream.indirect.scatter.add.f32 [tilespmem:s15], [sflag:$0x1], $0x80, s22, s14, $0xb8;
	[tilespmem:$0x1A0C0] =	vst v63  }
0x3a: {  	p1 =	sne.s32 s21, $0xBC00;
	s21 =	sadd.s32 $0x80, s22  }
0x3b: {  	[spmem:s2] =	stream.indirect.scatter.add.f32 [tilespmem:s15], [sflag:$0x2], $0x80, s21, s14, $0xb8;
	[tilespmem:$0x1A0C0] =	vst v63  }
.Ltmp1:
0x3c: {  	_ =	swait.ge [sflag:s13], $0x3400;
	(pc) =	sbr.rel @p1 .LBB2_4-.Ltmp1, $4  }
0x3d: {  	[sflag:s13] =	ssyncset.done $0x0  }
0x3e: {  	[sflag:s13] =	ssyncadd.s32 $0xFFFFCC00  }
0x3f: {  	_ =	swait.ge [sflag:s16], $0x3400  }
0x40: {  	s21 =	smov.u32 s23;
	[sflag:s16] =	ssyncset.done $0x0  }
0x41: {  	s20 =	sshra.s32 s20, $0x2;
	[sflag:s16] =	ssyncadd.s32 $0xFFFFCC00  }
0x42: {  	[spmem:s2] =	stream.indirect.scatter.add.f32 [tilespmem:s15], [sflag:$0x1], $0x80, s20, s14, $0xb8;
	[tilespmem:$0x1A0C0] =	vst v63  }
0x43: {  	s20 =	sadd.s32 $0x80, s20  }
0x44: {  	[spmem:s2] =	stream.indirect.scatter.add.f32 [tilespmem:s15], [sflag:$0x2], $0x80, s20, s14, $0xb8;
	[tilespmem:$0x1A0C0] =	vst v63  }
0x45: {  	_ =	swait.ge [sflag:s13], $0x3400  }
0x46: {  	[sflag:s13] =	ssyncset.done $0x0  }
0x47: {  	[sflag:s13] =	ssyncadd.s32 $0xFFFFCC00  }
0x48: {  	_ =	swait.ge [sflag:s16], $0x3400  }
0x49: {  	[sflag:s16] =	ssyncset.done $0x0  }
0x4a: {  	[sflag:s16] =	ssyncadd.s32 $0xFFFFCC00  }
0x4b: {  	[spmem:s2] =	stream.indirect.scatter.add.f32 [tilespmem:s15], [sflag:$0x3], $0x80, s17, s14, $0xb8;
	[tilespmem:$0x1A0C0] =	vst v63  }
0x4c: {  	_ =	swait.ge [sflag:s18], $0x3400  }
0x4d: {  	[sflag:s18] =	ssyncset.done $0x0  }
0x4e: {  	[sflag:s18] =	ssyncadd.s32 $0xFFFFCC00  }
0x4f: {  	s20 =	simm.s32 @p0 $0x1FC3;
	[bflag:$0x0] =	sbarrier.arrive $0xFFFF  }
0x50: {  	[hbm:s7], [sflag:s20] =	dma.local @p0 [spmem:s9], $0x2800  }
0x51: {  	s20 =	simm.s32 @p0 $0x3  }
0x52: {  	_ =	swait.ge @p0 [sflag:s20], $0x2800  }
0x53: {  	s19 =	sadd.s32 $0x1, s19;
	[sflag:s20] =	ssyncset.done @p0 $0x0  }
0x54: {  	p1 =	sne.s32 s19, s8;
	[sflag:s20] =	ssyncadd.s32 @p0 $0xFFFFD800;
	s20 =	sor.u32 @!p0 $0x1C03, s10  }
0x55: {  	[hbm:s6], [sflag:s20] =	dma.local @!p0 [spmem:s12], $0x2700  }
.Ltmp2:
0x56: {  	_ = 	snop;
	(pc) =	sbr.rel @p1 .LBB2_1-.Ltmp2, $4  }
0x57: {  	s20 =	simm.s32 @!p0 $0x3  }
0x58: {  	_ =	swait.ge @!p0 [sflag:s20], $0x2700  }
0x59: {  	[sflag:s20] =	ssyncset.done @!p0 $0x0  }
0x5a: {  	[sflag:s20] =	ssyncadd.s32 @!p0 $0xFFFFD900  }
0x5b: {  	_ =	sfence.sel $0x180000  }
0x5c: {  	[bflag:$0x0] =	sbarrier.arrive $0xFFFF  }
0x5d: {  	p0 =	sne.s32 s0, $0x0;
	_ =	strace $0x90000047  }
0x5e: {  	s0 =	sadd.s32 @!p0 $0x100000, s1;
	[bflag:$0x2] =	sbarrier.arrive $0xFFFF  }
0x5f: {  	[sflag:s0] =	ssyncadd.tile.s32 @!p0 $0x1;
	_ =	shalt  }
.Lfunc_end2:
_tile_overlayer_lowered:
.L_overlay_start_2:
0x60: {  	(tag) =	ssettag $0x2  }
0x61: {  	s0 =	rddreg [dreg:$0x0];
	s2 =	stileid.u32  }
0x62: {  	s1 =	rddreg [dreg:$0x1];
	p0 =	sne.s32 s2, $0x0  }
0x63: {  	s3 =	rddreg [dreg:$0x2];
	[bflag:$0x3] =	sbarrier.arrive $0xFFFF;
	s2 =	simm.s32 @!p0 $0x1C03  }
0x64: {  	[timem:s3], [sflag:s2] =	dma.local @!p0 [hbm:s0], s1  }
0x65: {  	s0 =	simm.s32 @!p0 $0x3  }
0x66: {  	_ =	swait.ge @!p0 [sflag:s0], s1  }
0x67: {  	s1 =	ssub.s32 @!p0 $0x0, s1;
	[sflag:s0] =	ssyncset.done @!p0 $0x0  }
0x68: {  	[sflag:s0] =	ssyncadd.s32 @!p0 s1  }
0x69: {  	[bflag:$0x3] =	sbarrier.arrive $0xFFFF  }
0x6a: {  	_ =	shalt  }

</sc_bundles>
